<compile_context>
chip_gen: v7x
topology: tpu7x:2x2x1
jax: 0.10.2.dev20260603
libtpu: 0.0.44.dev20260713+nightly
codegen_flags: <defaults>
</compile_context>

<pallas_src>
import functools

import jax
import jax.numpy as jnp
from jax import lax
from jax.experimental import pallas as pl
from jax.experimental.pallas import tpu as pltpu
from jax.experimental.pallas import tpu_sc as plsc

E = 8
D = 768
H = 192
N = 4096
M = 256
NP = N + E * M
NBLK = NP // M
CCH = 512

NC = 2
NS = 16
NW = NC * NS
RPW = N // NW


def _router_kernel(x_ref, rw_ref, rb_ref, pos_ref, pb_ref):
    logits = lax.dot_general(rw_ref[...], x_ref[...],
                             (((1,), (1,)), ((), ())),
                             preferred_element_type=jnp.float32)
    logits = logits + rb_ref[...].reshape(E, 1)
    m = jnp.max(logits, axis=0, keepdims=True)
    iota_e = lax.broadcasted_iota(jnp.int32, (E, N), 0)
    eid = jnp.min(jnp.where(logits == m, iota_e, E), axis=0, keepdims=True)
    onehot = (iota_e == eid).astype(jnp.float32)
    ci = lax.broadcasted_iota(jnp.int32, (CCH, CCH), 0)
    cj = lax.broadcasted_iota(jnp.int32, (CCH, CCH), 1)
    tri = (ci <= cj).astype(jnp.float32)
    chunks = []
    carry = jnp.zeros((E, 1), dtype=jnp.float32)
    for c in range(N // CCH):
        oh_c = onehot[:, c * CCH:(c + 1) * CCH]
        cum_c = jnp.dot(oh_c, tri, preferred_element_type=jnp.float32,
                        precision=lax.Precision.HIGHEST) + carry
        chunks.append(cum_c)
        carry = cum_c[:, CCH - 1:CCH]
    cum = jnp.concatenate(chunks, axis=1)
    counts = (carry + 0.5).astype(jnp.int32)
    nblk_e = ((counts + (M - 1)) // M).astype(jnp.float32)
    li = lax.broadcasted_iota(jnp.int32, (E + 1, E), 0)
    lj = lax.broadcasted_iota(jnp.int32, (E + 1, E), 1)
    lower = (lj < li).astype(jnp.float32)
    pb = jnp.dot(lower, nblk_e, preferred_element_type=jnp.float32,
                 precision=lax.Precision.HIGHEST)
    base = pb[0:E] * float(M)
    pos = jnp.sum(onehot * (cum + base), axis=0, keepdims=True) - 1.0
    pos_ref[...] = (pos + 0.5).astype(jnp.int32)
    pb_ref[...] = (pb + 0.5).astype(jnp.int32)


def _grouped_ffn_kernel(pb_ref, xs_ref, w1_ref, b1_ref, w2_ref, b2_ref,
                        out_ref):
    i = pl.program_id(0)

    @pl.when(i < pb_ref[E])
    def _():
        h = jnp.dot(xs_ref[...], w1_ref[0],
                    preferred_element_type=jnp.float32)
        h = jnp.maximum(h + b1_ref[0], 0.0)
        y = jnp.dot(h, w2_ref[0], preferred_element_type=jnp.float32)
        out_ref[...] = jnp.maximum(y + b2_ref[0], 0.0)


def _expert_of_block(i, pb_ref):
    e = 0
    for k in range(1, E):
        e += jnp.where(pb_ref[k] <= i, 1, 0)
    return e


def _sc_scatter_kernel(x_hbm, pos_hbm, xs_hbm, idx_v, rows_v, sem):
    wid = lax.axis_index("s") * NC + lax.axis_index("c")
    base = wid * RPW
    pltpu.sync_copy(pos_hbm.at[wid], idx_v)
    pltpu.sync_copy(x_hbm.at[pl.ds(base, RPW)], rows_v)
    pltpu.async_copy(rows_v, xs_hbm.at[idx_v.at[0]], sem).wait()


def _sc_gather_kernel(ys_hbm, pos_hbm, out_hbm, idx_v, rows_v, sem):
    wid = lax.axis_index("s") * NC + lax.axis_index("c")
    base = wid * RPW
    pltpu.sync_copy(pos_hbm.at[wid], idx_v)
    pltpu.async_copy(ys_hbm.at[idx_v.at[0]], rows_v, sem).wait()
    pltpu.sync_copy(rows_v, out_hbm.at[pl.ds(base, RPW)])


def _sc_mesh():
    return plsc.VectorSubcoreMesh(core_axis_name="c", subcore_axis_name="s")


def kernel(x, router_w, router_b, w1, b1, w2, b2):
    B, K, Dq = x.shape
    x_flat = x.reshape(N, D)

    pos, pb = pl.pallas_call(
        _router_kernel,
        in_specs=[
            pl.BlockSpec((N, D), lambda: (0, 0)),
            pl.BlockSpec((E, D), lambda: (0, 0)),
            pl.BlockSpec((1, E), lambda: (0, 0)),
        ],
        out_specs=[
            pl.BlockSpec((1, N), lambda: (0, 0)),
            pl.BlockSpec((E + 1, 1), lambda: (0, 0)),
        ],
        out_shape=[
            jax.ShapeDtypeStruct((1, N), jnp.int32),
            jax.ShapeDtypeStruct((E + 1, 1), jnp.int32),
        ],
    )(x_flat, router_w, router_b.reshape(1, E))

    pos3 = pos.reshape(NW, 1, RPW)
    pb9 = pb.reshape(E + 1)

    scatter = pl.kernel(
        _sc_scatter_kernel,
        out_type=jax.ShapeDtypeStruct((NP, D), jnp.float32),
        mesh=_sc_mesh(),
        scratch_types=[
            pltpu.VMEM((1, RPW), jnp.int32),
            pltpu.VMEM((RPW, D), jnp.float32),
            pltpu.SemaphoreType.DMA,
        ],
    )
    xs = scatter(x_flat, pos3)

    ys = pl.pallas_call(
        _grouped_ffn_kernel,
        grid_spec=pltpu.PrefetchScalarGridSpec(
            num_scalar_prefetch=1,
            grid=(NBLK,),
            in_specs=[
                pl.BlockSpec((M, D), lambda i, pb: (i, 0)),
                pl.BlockSpec((1, D, H),
                             lambda i, pb: (_expert_of_block(i, pb), 0, 0)),
                pl.BlockSpec((1, 1, H),
                             lambda i, pb: (_expert_of_block(i, pb), 0, 0)),
                pl.BlockSpec((1, H, D),
                             lambda i, pb: (_expert_of_block(i, pb), 0, 0)),
                pl.BlockSpec((1, 1, D),
                             lambda i, pb: (_expert_of_block(i, pb), 0, 0)),
            ],
            out_specs=pl.BlockSpec((M, D), lambda i, pb: (i, 0)),
        ),
        out_shape=jax.ShapeDtypeStruct((NP, D), jnp.float32),
    )(pb9, xs, w1, b1.reshape(E, 1, H), w2, b2.reshape(E, 1, D))

    gather = pl.kernel(
        _sc_gather_kernel,
        out_type=jax.ShapeDtypeStruct((N, D), jnp.float32),
        mesh=_sc_mesh(),
        scratch_types=[
            pltpu.VMEM((1, RPW), jnp.int32),
            pltpu.VMEM((RPW, D), jnp.float32),
            pltpu.SemaphoreType.DMA,
        ],
    )
    out = gather(ys, pos3)
    return out.reshape(B, K, Dq)

# --- scband reference (transcript-rebuilt; emitter-appended) ---
"""Pipeline reference for scband-multi-view-mo-eblock-53721450939144 (READ-ONLY COPY).

The authoritative reference and input builder live on the scoring server;
editing this copy changes nothing except your own understanding.
"""

import jax, jax.numpy as jnp
import numpy as np

E = 8
D = 768
H = 192  # int(768 * 0.25)
B = 2
K = 2048


def setup_inputs(seed: int = 0) -> dict:
    key = jax.random.key(seed)
    ks = jax.random.split(key, 8)
    x = jax.random.normal(ks[0], (B, K, D), dtype=jnp.float32)
    # router: nn.Linear(d_block, num_experts), init uniform(-d_block^-0.5, d_block^-0.5)
    s_router = D ** (-0.5)
    router_w = jax.random.uniform(ks[1], (E, D), minval=-s_router, maxval=s_router, dtype=jnp.float32)
    router_b = jax.random.uniform(ks[2], (E,), minval=-s_router, maxval=s_router, dtype=jnp.float32)
    # weights1 [E, D, H] init with rsqrt of last dim (H); bias1 [E, H] rsqrt(H)
    s_h = H ** (-0.5)
    w1 = jax.random.uniform(ks[3], (E, D, H), minval=-s_h, maxval=s_h, dtype=jnp.float32)
    b1 = jax.random.uniform(ks[4], (E, H), minval=-s_h, maxval=s_h, dtype=jnp.float32)
    # weights2 [E, H, D] init rsqrt(D); bias2 [E, D] rsqrt(D)
    s_d = D ** (-0.5)
    w2 = jax.random.uniform(ks[5], (E, H, D), minval=-s_d, maxval=s_d, dtype=jnp.float32)
    b2 = jax.random.uniform(ks[6], (E, D), minval=-s_d, maxval=s_d, dtype=jnp.float32)
    return {"x": x, "router_w": router_w, "router_b": router_b,
            "w1": w1, "b1": b1, "w2": w2, "b2": b2}


def reference(x, router_w, router_b, w1, b1, w2, b2):
    Bq, Kq, Dq = x.shape
    x_flat = x.reshape(-1, Dq)
    # router logits (nn.Linear => x @ W^T + b)
    logits = x_flat @ router_w.T + router_b
    routed_idx = jnp.argmax(logits, axis=-1)
    out_flat = jnp.zeros_like(x_flat)
    num_experts = w1.shape[0]
    for e in range(num_experts):
        h = jax.nn.relu(x_flat @ w1[e] + b1[e])   # act1 after layer 1 (dropout=0.0 -> identity)
        y = jax.nn.relu(h @ w2[e] + b2[e])        # module applies act1 again after layer 2
        mask = (routed_idx == e)[:, None]
        out_flat = jnp.where(mask, y, out_flat)
    return out_flat.reshape(Bq, Kq, Dq)

if __name__ == "__main__":
    import jax
    _d = setup_inputs()
    print(jax.jit(kernel)(*tuple(_d.values())))

</pallas_src>

<mosaic_0001>
#map = affine_map<(d0, d1) -> (0, 0)>
#map1 = affine_map<(d0, d1) -> (0, 0, 0)>
module attributes {stable_mosaic.version = 14 : i64} {
  func.func @_sc_scatter_kernel(%arg0: i32, %arg1: i32, %arg2: memref<4096x768xf32, #tpu.memory_space<hbm>>, %arg3: memref<32x1x128xi32, #tpu.memory_space<hbm>>, %arg4: memref<6144x768xf32, #tpu.memory_space<hbm>>, %arg5: memref<1x128xi32, #tpu.memory_space<vmem>>, %arg6: memref<128x768xf32, #tpu.memory_space<vmem>>, %arg7: memref<!tpu.dma_semaphore, #tpu.memory_space<semaphore_mem>>) attributes {dimension_semantics = [#tpu.dimension_semantics<core_parallel>, #tpu.dimension_semantics<subcore_parallel>], iteration_bounds = array<i64: 2, 16>, scalar_prefetch = 0 : i64, scratch_operands = 3 : i64, tpu.core_type = #tpu.core_type<sc_vector_subcore>, window_params = [{transform_indices = #map}, {transform_indices = #map1}, {transform_indices = #map}]} {
    %mul3A = arith.constant 2 : i32
    %mul3A_0 = arith.muli %arg1, %mul3A : i32
    %add3A = arith.addi %mul3A_0, %arg0 : i32
    %mul3A_1 = arith.constant 128 : i32
    %mul3A_2 = arith.muli %add3A, %mul3A_1 : i32
    "tpu.region"() ({
      %run_scoped3A = tpu.sem_alloc : memref<!tpu.dma_semaphore, #tpu.memory_space<semaphore_mem>>
      %dma_start3A_15 = arith.constant 0 : i32
      %dma_start3A_16 = arith.constant 0 : i32
      %dma_start3A_17 = tpu.memref_slice %arg3[%add3A, %dma_start3A_15, %dma_start3A_16] : memref<32x1x128xi32, #tpu.memory_space<hbm>> -> memref<1x1x128xi32, #tpu.memory_space<hbm>>
      %dma_start3A_18 = tpu.memref_squeeze %dma_start3A_17 : memref<1x1x128xi32, #tpu.memory_space<hbm>> -> memref<1x128xi32, #tpu.memory_space<hbm>>
      %dma_start3A_19 = arith.constant 0 : i32
      %dma_start3A_20 = arith.constant 0 : i32
      %dma_start3A_21 = tpu.memref_slice %arg3[%add3A, %dma_start3A_19, %dma_start3A_20] : memref<32x1x128xi32, #tpu.memory_space<hbm>> -> memref<1x1x128xi32, #tpu.memory_space<hbm>>
      %dma_start3A_22 = tpu.memref_squeeze %dma_start3A_21 : memref<1x1x128xi32, #tpu.memory_space<hbm>> -> memref<1x128xi32, #tpu.memory_space<hbm>>
      tpu.enqueue_dma source(%dma_start3A_22 : memref<1x128xi32, #tpu.memory_space<hbm>>) target(%arg5 : memref<1x128xi32, #tpu.memory_space<vmem>>) target_semaphore(%run_scoped3A : memref<!tpu.dma_semaphore, #tpu.memory_space<semaphore_mem>>)
      %dma_wait3A_23 = arith.constant 0 : i32
      %dma_wait3A_24 = arith.constant 0 : i32
      %dma_wait3A_25 = tpu.memref_slice %arg3[%add3A, %dma_wait3A_23, %dma_wait3A_24] : memref<32x1x128xi32, #tpu.memory_space<hbm>> -> memref<1x1x128xi32, #tpu.memory_space<hbm>>
      %dma_wait3A_26 = tpu.memref_squeeze %dma_wait3A_25 : memref<1x1x128xi32, #tpu.memory_space<hbm>> -> memref<1x128xi32, #tpu.memory_space<hbm>>
      %dma_wait3A_27 = arith.constant 0 : i32
      %dma_wait3A_28 = arith.constant 0 : i32
      %dma_wait3A_29 = tpu.memref_slice %arg3[%add3A, %dma_wait3A_27, %dma_wait3A_28] : memref<32x1x128xi32, #tpu.memory_space<hbm>> -> memref<1x1x128xi32, #tpu.memory_space<hbm>>
      %dma_wait3A_30 = tpu.memref_squeeze %dma_wait3A_29 : memref<1x1x128xi32, #tpu.memory_space<hbm>> -> memref<1x128xi32, #tpu.memory_space<hbm>>
      tpu.wait_dma2 semaphore(%run_scoped3A : memref<!tpu.dma_semaphore, #tpu.memory_space<semaphore_mem>>) src(%dma_wait3A_30 : memref<1x128xi32, #tpu.memory_space<hbm>>) dst(%arg5 : memref<1x128xi32, #tpu.memory_space<vmem>>)
      tpu.yield
    }) : () -> ()
    "tpu.region"() ({
      %run_scoped3A = tpu.sem_alloc : memref<!tpu.dma_semaphore, #tpu.memory_space<semaphore_mem>>
      %dma_start3A_15 = arith.constant 0 : i32
      %dma_start3A_16 = tpu.memref_slice %arg2[%mul3A_2, %dma_start3A_15] : memref<4096x768xf32, #tpu.memory_space<hbm>> -> memref<128x768xf32, #tpu.memory_space<hbm>>
      %dma_start3A_17 = arith.constant 0 : i32
      %dma_start3A_18 = tpu.memref_slice %arg2[%mul3A_2, %dma_start3A_17] : memref<4096x768xf32, #tpu.memory_space<hbm>> -> memref<128x768xf32, #tpu.memory_space<hbm>>
      tpu.enqueue_dma source(%dma_start3A_18 : memref<128x768xf32, #tpu.memory_space<hbm>>) target(%arg6 : memref<128x768xf32, #tpu.memory_space<vmem>>) target_semaphore(%run_scoped3A : memref<!tpu.dma_semaphore, #tpu.memory_space<semaphore_mem>>)
      %dma_wait3A_19 = arith.constant 0 : i32
      %dma_wait3A_20 = tpu.memref_slice %arg2[%mul3A_2, %dma_wait3A_19] : memref<4096x768xf32, #tpu.memory_space<hbm>> -> memref<128x768xf32, #tpu.memory_space<hbm>>
      %dma_wait3A_21 = arith.constant 0 : i32
      %dma_wait3A_22 = tpu.memref_slice %arg2[%mul3A_2, %dma_wait3A_21] : memref<4096x768xf32, #tpu.memory_space<hbm>> -> memref<128x768xf32, #tpu.memory_space<hbm>>
      tpu.wait_dma2 semaphore(%run_scoped3A : memref<!tpu.dma_semaphore, #tpu.memory_space<semaphore_mem>>) src(%dma_wait3A_22 : memref<128x768xf32, #tpu.memory_space<hbm>>) dst(%arg6 : memref<128x768xf32, #tpu.memory_space<vmem>>)
      tpu.yield
    }) : () -> ()
    %dma_start3A = arith.constant 0 : i32
    %dma_start3A_3 = arith.constant 0 : i32
    %dma_start3A_4 = tpu.memref_slice %arg5[%dma_start3A, %dma_start3A_3] : memref<1x128xi32, #tpu.memory_space<vmem>> -> memref<1x128xi32, #tpu.memory_space<vmem>>
    %dma_start3A_5 = tpu.memref_squeeze %dma_start3A_4 : memref<1x128xi32, #tpu.memory_space<vmem>> -> memref<128xi32, #tpu.memory_space<vmem>>
    %dma_start3A_6 = arith.constant 0 : i32
    %dma_start3A_7 = arith.constant 0 : i32
    %dma_start3A_8 = tpu.memref_slice %arg4[%dma_start3A_6, %dma_start3A_7] : memref<6144x768xf32, #tpu.memory_space<hbm>> -> memref<6144x768xf32, #tpu.memory_space<hbm>>
    tpu.enqueue_indirect_dma source(%arg6 : memref<128x768xf32, #tpu.memory_space<vmem>>) target(%dma_start3A_8 : memref<6144x768xf32, #tpu.memory_space<hbm>>) offsets(%dma_start3A_5 : memref<128xi32, #tpu.memory_space<vmem>>) semaphore(%arg7 : memref<!tpu.dma_semaphore, #tpu.memory_space<semaphore_mem>>)
    %dma_wait3A = arith.constant 0 : i32
    %dma_wait3A_9 = arith.constant 0 : i32
    %dma_wait3A_10 = tpu.memref_slice %arg5[%dma_wait3A, %dma_wait3A_9] : memref<1x128xi32, #tpu.memory_space<vmem>> -> memref<1x128xi32, #tpu.memory_space<vmem>>
    %dma_wait3A_11 = tpu.memref_squeeze %dma_wait3A_10 : memref<1x128xi32, #tpu.memory_space<vmem>> -> memref<128xi32, #tpu.memory_space<vmem>>
    %dma_wait3A_12 = arith.constant 0 : i32
    %dma_wait3A_13 = arith.constant 0 : i32
    %dma_wait3A_14 = tpu.memref_slice %arg4[%dma_wait3A_12, %dma_wait3A_13] : memref<6144x768xf32, #tpu.memory_space<hbm>> -> memref<6144x768xf32, #tpu.memory_space<hbm>>
    tpu.wait_indirect_dma semaphore(%arg7 : memref<!tpu.dma_semaphore, #tpu.memory_space<semaphore_mem>>) src(%arg6 : memref<128x768xf32, #tpu.memory_space<vmem>>) dst(%dma_wait3A_14 : memref<6144x768xf32, #tpu.memory_space<hbm>>)
    return
  }
}

#map = affine_map<(d0, d1) -> (0, 0)>
#map1 = affine_map<(d0, d1) -> (0, 0, 0)>
module attributes {stable_mosaic.version = 14 : i64} {
  func.func @_sc_gather_kernel(%arg0: i32, %arg1: i32, %arg2: memref<6144x768xf32, #tpu.memory_space<hbm>>, %arg3: memref<32x1x128xi32, #tpu.memory_space<hbm>>, %arg4: memref<4096x768xf32, #tpu.memory_space<hbm>>, %arg5: memref<1x128xi32, #tpu.memory_space<vmem>>, %arg6: memref<128x768xf32, #tpu.memory_space<vmem>>, %arg7: memref<!tpu.dma_semaphore, #tpu.memory_space<semaphore_mem>>) attributes {dimension_semantics = [#tpu.dimension_semantics<core_parallel>, #tpu.dimension_semantics<subcore_parallel>], iteration_bounds = array<i64: 2, 16>, scalar_prefetch = 0 : i64, scratch_operands = 3 : i64, tpu.core_type = #tpu.core_type<sc_vector_subcore>, window_params = [{transform_indices = #map}, {transform_indices = #map1}, {transform_indices = #map}]} {
    %mul3A = arith.constant 2 : i32
    %mul3A_0 = arith.muli %arg1, %mul3A : i32
    %add3A = arith.addi %mul3A_0, %arg0 : i32
    %mul3A_1 = arith.constant 128 : i32
    %mul3A_2 = arith.muli %add3A, %mul3A_1 : i32
    "tpu.region"() ({
      %run_scoped3A = tpu.sem_alloc : memref<!tpu.dma_semaphore, #tpu.memory_space<semaphore_mem>>
      %dma_start3A_15 = arith.constant 0 : i32
      %dma_start3A_16 = arith.constant 0 : i32
      %dma_start3A_17 = tpu.memref_slice %arg3[%add3A, %dma_start3A_15, %dma_start3A_16] : memref<32x1x128xi32, #tpu.memory_space<hbm>> -> memref<1x1x128xi32, #tpu.memory_space<hbm>>
      %dma_start3A_18 = tpu.memref_squeeze %dma_start3A_17 : memref<1x1x128xi32, #tpu.memory_space<hbm>> -> memref<1x128xi32, #tpu.memory_space<hbm>>
      %dma_start3A_19 = arith.constant 0 : i32
      %dma_start3A_20 = arith.constant 0 : i32
      %dma_start3A_21 = tpu.memref_slice %arg3[%add3A, %dma_start3A_19, %dma_start3A_20] : memref<32x1x128xi32, #tpu.memory_space<hbm>> -> memref<1x1x128xi32, #tpu.memory_space<hbm>>
      %dma_start3A_22 = tpu.memref_squeeze %dma_start3A_21 : memref<1x1x128xi32, #tpu.memory_space<hbm>> -> memref<1x128xi32, #tpu.memory_space<hbm>>
      tpu.enqueue_dma source(%dma_start3A_22 : memref<1x128xi32, #tpu.memory_space<hbm>>) target(%arg5 : memref<1x128xi32, #tpu.memory_space<vmem>>) target_semaphore(%run_scoped3A : memref<!tpu.dma_semaphore, #tpu.memory_space<semaphore_mem>>)
      %dma_wait3A_23 = arith.constant 0 : i32
      %dma_wait3A_24 = arith.constant 0 : i32
      %dma_wait3A_25 = tpu.memref_slice %arg3[%add3A, %dma_wait3A_23, %dma_wait3A_24] : memref<32x1x128xi32, #tpu.memory_space<hbm>> -> memref<1x1x128xi32, #tpu.memory_space<hbm>>
      %dma_wait3A_26 = tpu.memref_squeeze %dma_wait3A_25 : memref<1x1x128xi32, #tpu.memory_space<hbm>> -> memref<1x128xi32, #tpu.memory_space<hbm>>
      %dma_wait3A_27 = arith.constant 0 : i32
      %dma_wait3A_28 = arith.constant 0 : i32
      %dma_wait3A_29 = tpu.memref_slice %arg3[%add3A, %dma_wait3A_27, %dma_wait3A_28] : memref<32x1x128xi32, #tpu.memory_space<hbm>> -> memref<1x1x128xi32, #tpu.memory_space<hbm>>
      %dma_wait3A_30 = tpu.memref_squeeze %dma_wait3A_29 : memref<1x1x128xi32, #tpu.memory_space<hbm>> -> memref<1x128xi32, #tpu.memory_space<hbm>>
      tpu.wait_dma2 semaphore(%run_scoped3A : memref<!tpu.dma_semaphore, #tpu.memory_space<semaphore_mem>>) src(%dma_wait3A_30 : memref<1x128xi32, #tpu.memory_space<hbm>>) dst(%arg5 : memref<1x128xi32, #tpu.memory_space<vmem>>)
      tpu.yield
    }) : () -> ()
    %dma_start3A = arith.constant 0 : i32
    %dma_start3A_3 = arith.constant 0 : i32
    %dma_start3A_4 = tpu.memref_slice %arg5[%dma_start3A, %dma_start3A_3] : memref<1x128xi32, #tpu.memory_space<vmem>> -> memref<1x128xi32, #tpu.memory_space<vmem>>
    %dma_start3A_5 = tpu.memref_squeeze %dma_start3A_4 : memref<1x128xi32, #tpu.memory_space<vmem>> -> memref<128xi32, #tpu.memory_space<vmem>>
    %dma_start3A_6 = arith.constant 0 : i32
    %dma_start3A_7 = arith.constant 0 : i32
    %dma_start3A_8 = tpu.memref_slice %arg2[%dma_start3A_6, %dma_start3A_7] : memref<6144x768xf32, #tpu.memory_space<hbm>> -> memref<6144x768xf32, #tpu.memory_space<hbm>>
    tpu.enqueue_indirect_dma source(%dma_start3A_8 : memref<6144x768xf32, #tpu.memory_space<hbm>>) target(%arg6 : memref<128x768xf32, #tpu.memory_space<vmem>>) offsets(%dma_start3A_5 : memref<128xi32, #tpu.memory_space<vmem>>) semaphore(%arg7 : memref<!tpu.dma_semaphore, #tpu.memory_space<semaphore_mem>>)
    %dma_wait3A = arith.constant 0 : i32
    %dma_wait3A_9 = arith.constant 0 : i32
    %dma_wait3A_10 = tpu.memref_slice %arg5[%dma_wait3A, %dma_wait3A_9] : memref<1x128xi32, #tpu.memory_space<vmem>> -> memref<1x128xi32, #tpu.memory_space<vmem>>
    %dma_wait3A_11 = tpu.memref_squeeze %dma_wait3A_10 : memref<1x128xi32, #tpu.memory_space<vmem>> -> memref<128xi32, #tpu.memory_space<vmem>>
    %dma_wait3A_12 = arith.constant 0 : i32
    %dma_wait3A_13 = arith.constant 0 : i32
    %dma_wait3A_14 = tpu.memref_slice %arg2[%dma_wait3A_12, %dma_wait3A_13] : memref<6144x768xf32, #tpu.memory_space<hbm>> -> memref<6144x768xf32, #tpu.memory_space<hbm>>
    tpu.wait_indirect_dma semaphore(%arg7 : memref<!tpu.dma_semaphore, #tpu.memory_space<semaphore_mem>>) src(%dma_wait3A_14 : memref<6144x768xf32, #tpu.memory_space<hbm>>) dst(%arg6 : memref<128x768xf32, #tpu.memory_space<vmem>>)
    "tpu.region"() ({
      %run_scoped3A = tpu.sem_alloc : memref<!tpu.dma_semaphore, #tpu.memory_space<semaphore_mem>>
      %dma_start3A_15 = arith.constant 0 : i32
      %dma_start3A_16 = tpu.memref_slice %arg4[%mul3A_2, %dma_start3A_15] : memref<4096x768xf32, #tpu.memory_space<hbm>> -> memref<128x768xf32, #tpu.memory_space<hbm>>
      %dma_start3A_17 = arith.constant 0 : i32
      %dma_start3A_18 = tpu.memref_slice %arg4[%mul3A_2, %dma_start3A_17] : memref<4096x768xf32, #tpu.memory_space<hbm>> -> memref<128x768xf32, #tpu.memory_space<hbm>>
      tpu.enqueue_dma source(%arg6 : memref<128x768xf32, #tpu.memory_space<vmem>>) target(%dma_start3A_18 : memref<128x768xf32, #tpu.memory_space<hbm>>) target_semaphore(%run_scoped3A : memref<!tpu.dma_semaphore, #tpu.memory_space<semaphore_mem>>)
      %dma_wait3A_19 = arith.constant 0 : i32
      %dma_wait3A_20 = tpu.memref_slice %arg4[%mul3A_2, %dma_wait3A_19] : memref<4096x768xf32, #tpu.memory_space<hbm>> -> memref<128x768xf32, #tpu.memory_space<hbm>>
      %dma_wait3A_21 = arith.constant 0 : i32
      %dma_wait3A_22 = tpu.memref_slice %arg4[%mul3A_2, %dma_wait3A_21] : memref<4096x768xf32, #tpu.memory_space<hbm>> -> memref<128x768xf32, #tpu.memory_space<hbm>>
      tpu.wait_dma2 semaphore(%run_scoped3A : memref<!tpu.dma_semaphore, #tpu.memory_space<semaphore_mem>>) src(%arg6 : memref<128x768xf32, #tpu.memory_space<vmem>>) dst(%dma_wait3A_22 : memref<128x768xf32, #tpu.memory_space<hbm>>)
      tpu.yield
    }) : () -> ()
    return
  }
}

module attributes {stable_mosaic.version = 14 : i64} {
  func.func @_grouped_ffn_kernel(%arg0: i32, %arg1: memref<9xi32, #tpu.memory_space<smem>>, %arg2: memref<256x768xf32, #tpu.memory_space<vmem>>, %arg3: memref<1x768x192xf32, #tpu.memory_space<vmem>>, %arg4: memref<1x1x192xf32, #tpu.memory_space<vmem>>, %arg5: memref<1x192x768xf32, #tpu.memory_space<vmem>>, %arg6: memref<1x1x768xf32, #tpu.memory_space<vmem>>, %arg7: memref<256x768xf32, #tpu.memory_space<vmem>>) attributes {dimension_semantics = [#tpu.dimension_semantics<arbitrary>], iteration_bounds = array<i64: 24>, scalar_prefetch = 1 : i64, scratch_operands = 0 : i64, tpu.core_type = #tpu.core_type<tc>, window_params = [{transform_indices = @transform_0, window_bounds = array<i64: 256, 768>}, {transform_indices = @transform_1, window_bounds = array<i64: 1, 768, 192>}, {transform_indices = @transform_2, window_bounds = array<i64: 1, 1, 192>}, {transform_indices = @transform_3, window_bounds = array<i64: 1, 192, 768>}, {transform_indices = @transform_4, window_bounds = array<i64: 1, 1, 768>}, {transform_indices = @transform_5, window_bounds = array<i64: 256, 768>}]} {
    %get3A = arith.constant 8 : index
    %get3A_0 = memref.load %arg1[%get3A] : memref<9xi32, #tpu.memory_space<smem>>
    %lt3A = arith.cmpi slt, %arg0, %get3A_0 : i32
    %convert_element_type3A = arith.extui %lt3A : i1 to i32
    %cond3A = arith.constant 0 : i32
    %cond3A_1 = arith.cmpi ne, %convert_element_type3A, %cond3A : i32
    scf.if %cond3A_1 {
      %get3A_2 = arith.constant 0 : index
      %get3A_3 = arith.constant 0 : index
      %get3A_4 = vector.load %arg2[%get3A_2, %get3A_3] : memref<256x768xf32, #tpu.memory_space<vmem>>, vector<256x768xf32>
      %get3A_5 = arith.constant 0 : index
      %get3A_6 = arith.constant 0 : index
      %get3A_7 = arith.constant 0 : index
      %get3A_8 = vector.load %arg3[%get3A_5, %get3A_6, %get3A_7] : memref<1x768x192xf32, #tpu.memory_space<vmem>>, vector<1x768x192xf32>
      %get3A_9 = vector.shape_cast %get3A_8 : vector<1x768x192xf32> to vector<768x192xf32>
      %dot_general3A = arith.constant dense<0.000000e+00> : vector<256x192xf32>
      %dot_general3A_10 = tpu.matmul %get3A_4, %get3A_9, %dot_general3A {dimension_numbers = #tpu.dot_dimension_numbers<[1], [0], [0], [1], [0, 0, 1, 1], [], []>, transpose_lhs_hint = false} : vector<256x768xf32>, vector<768x192xf32>, vector<256x192xf32> -> vector<256x192xf32>
      %get3A_11 = arith.constant 0 : index
      %get3A_12 = arith.constant 0 : index
      %get3A_13 = arith.constant 0 : index
      %get3A_14 = vector.load %arg4[%get3A_11, %get3A_12, %get3A_13] : memref<1x1x192xf32, #tpu.memory_space<vmem>>, vector<1x1x192xf32>
      %get3A_15 = vector.shape_cast %get3A_14 : vector<1x1x192xf32> to vector<1x192xf32>
      %add3A = vector.broadcast %get3A_15 : vector<1x192xf32> to vector<256x192xf32>
      %add3A_16 = arith.addf %dot_general3A_10, %add3A : vector<256x192xf32>
      %max3A = arith.constant 0.000000e+00 : f32
      %max3A_17 = vector.broadcast %max3A : f32 to vector<256x192xf32>
      %max3A_18 = arith.maximumf %add3A_16, %max3A_17 : vector<256x192xf32>
      %get3A_19 = arith.constant 0 : index
      %get3A_20 = arith.constant 0 : index
      %get3A_21 = arith.constant 0 : index
      %get3A_22 = vector.load %arg5[%get3A_19, %get3A_20, %get3A_21] : memref<1x192x768xf32, #tpu.memory_space<vmem>>, vector<1x192x768xf32>
      %get3A_23 = vector.shape_cast %get3A_22 : vector<1x192x768xf32> to vector<192x768xf32>
      %dot_general3A_24 = arith.constant dense<0.000000e+00> : vector<256x768xf32>
      %dot_general3A_25 = tpu.matmul %max3A_18, %get3A_23, %dot_general3A_24 {dimension_numbers = #tpu.dot_dimension_numbers<[1], [0], [0], [1], [0, 0, 1, 1], [], []>, transpose_lhs_hint = false} : vector<256x192xf32>, vector<192x768xf32>, vector<256x768xf32> -> vector<256x768xf32>
      %get3A_26 = arith.constant 0 : index
      %get3A_27 = arith.constant 0 : index
      %get3A_28 = arith.constant 0 : index
      %get3A_29 = vector.load %arg6[%get3A_26, %get3A_27, %get3A_28] : memref<1x1x768xf32, #tpu.memory_space<vmem>>, vector<1x1x768xf32>
      %get3A_30 = vector.shape_cast %get3A_29 : vector<1x1x768xf32> to vector<1x768xf32>
      %add3A_31 = vector.broadcast %get3A_30 : vector<1x768xf32> to vector<256x768xf32>
      %add3A_32 = arith.addf %dot_general3A_25, %add3A_31 : vector<256x768xf32>
      %max3A_33 = arith.constant 0.000000e+00 : f32
      %max3A_34 = vector.broadcast %max3A_33 : f32 to vector<256x768xf32>
      %max3A_35 = arith.maximumf %add3A_32, %max3A_34 : vector<256x768xf32>
      %swap3A = arith.constant 0 : index
      %swap3A_36 = arith.constant 0 : index
      %swap3A_37 = vector.load %arg7[%swap3A, %swap3A_36] : memref<256x768xf32, #tpu.memory_space<vmem>>, vector<256x768xf32>
      tpu.vector_store %arg7[%swap3A, %swap3A_36], %max3A_35 {strides = array<i32>} : memref<256x768xf32, #tpu.memory_space<vmem>>, vector<256x768xf32>,
    } else {
    }
    return
  }
  func.func @transform_0(%arg0: i32, %arg1: memref<9xi32, #tpu.memory_space<smem>>) -> (i32, i32) {
    %c0_i32 = arith.constant 0 : i32
    %c0_i32_0 = arith.constant 0 : i32
    return %arg0, %c0_i32 : i32, i32
  }
  func.func @transform_1(%arg0: i32, %arg1: memref<9xi32, #tpu.memory_space<smem>>) -> (i32, i32, i32) {
    %get3A = arith.constant 1 : index
    %get3A_0 = memref.load %arg1[%get3A] : memref<9xi32, #tpu.memory_space<smem>>
    %le3A = arith.cmpi sle, %get3A_0, %arg0 : i32
    %jit3A = arith.constant 1 : i32
    %jit3A_1 = arith.constant 0 : i32
    %select_n3A = arith.select %le3A, %jit3A, %jit3A_1 : i32
    %add3A = arith.constant 0 : i32
    %add3A_2 = arith.addi %add3A, %select_n3A : i32
    %get3A_3 = arith.constant 2 : index
    %get3A_4 = memref.load %arg1[%get3A_3] : memref<9xi32, #tpu.memory_space<smem>>
    %le3A_5 = arith.cmpi sle, %get3A_4, %arg0 : i32
    %jit3A_6 = arith.constant 1 : i32
    %jit3A_7 = arith.constant 0 : i32
    %select_n3A_8 = arith.select %le3A_5, %jit3A_6, %jit3A_7 : i32
    %add3A_9 = arith.addi %add3A_2, %select_n3A_8 : i32
    %get3A_10 = arith.constant 3 : index
    %get3A_11 = memref.load %arg1[%get3A_10] : memref<9xi32, #tpu.memory_space<smem>>
    %le3A_12 = arith.cmpi sle, %get3A_11, %arg0 : i32
    %jit3A_13 = arith.constant 1 : i32
    %jit3A_14 = arith.constant 0 : i32
    %select_n3A_15 = arith.select %le3A_12, %jit3A_13, %jit3A_14 : i32
    %add3A_16 = arith.addi %add3A_9, %select_n3A_15 : i32
    %get3A_17 = arith.constant 4 : index
    %get3A_18 = memref.load %arg1[%get3A_17] : memref<9xi32, #tpu.memory_space<smem>>
    %le3A_19 = arith.cmpi sle, %get3A_18, %arg0 : i32
    %jit3A_20 = arith.constant 1 : i32
    %jit3A_21 = arith.constant 0 : i32
    %select_n3A_22 = arith.select %le3A_19, %jit3A_20, %jit3A_21 : i32
    %add3A_23 = arith.addi %add3A_16, %select_n3A_22 : i32
    %get3A_24 = arith.constant 5 : index
    %get3A_25 = memref.load %arg1[%get3A_24] : memref<9xi32, #tpu.memory_space<smem>>
    %le3A_26 = arith.cmpi sle, %get3A_25, %arg0 : i32
    %jit3A_27 = arith.constant 1 : i32
    %jit3A_28 = arith.constant 0 : i32
    %select_n3A_29 = arith.select %le3A_26, %jit3A_27, %jit3A_28 : i32
    %add3A_30 = arith.addi %add3A_23, %select_n3A_29 : i32
    %get3A_31 = arith.constant 6 : index
    %get3A_32 = memref.load %arg1[%get3A_31] : memref<9xi32, #tpu.memory_space<smem>>
    %le3A_33 = arith.cmpi sle, %get3A_32, %arg0 : i32
    %jit3A_34 = arith.constant 1 : i32
    %jit3A_35 = arith.constant 0 : i32
    %select_n3A_36 = arith.select %le3A_33, %jit3A_34, %jit3A_35 : i32
    %add3A_37 = arith.addi %add3A_30, %select_n3A_36 : i32
    %get3A_38 = arith.constant 7 : index
    %get3A_39 = memref.load %arg1[%get3A_38] : memref<9xi32, #tpu.memory_space<smem>>
    %le3A_40 = arith.cmpi sle, %get3A_39, %arg0 : i32
    %jit3A_41 = arith.constant 1 : i32
    %jit3A_42 = arith.constant 0 : i32
    %select_n3A_43 = arith.select %le3A_40, %jit3A_41, %jit3A_42 : i32
    %add3A_44 = arith.addi %add3A_37, %select_n3A_43 : i32
    %c0_i32 = arith.constant 0 : i32
    %c0_i32_45 = arith.constant 0 : i32
    %c0_i32_46 = arith.constant 0 : i32
    return %add3A_44, %c0_i32, %c0_i32_45 : i32, i32, i32
  }
  func.func @transform_2(%arg0: i32, %arg1: memref<9xi32, #tpu.memory_space<smem>>) -> (i32, i32, i32) {
    %get3A = arith.constant 1 : index
    %get3A_0 = memref.load %arg1[%get3A] : memref<9xi32, #tpu.memory_space<smem>>
    %le3A = arith.cmpi sle, %get3A_0, %arg0 : i32
    %jit3A = arith.constant 1 : i32
    %jit3A_1 = arith.constant 0 : i32
    %select_n3A = arith.select %le3A, %jit3A, %jit3A_1 : i32
    %add3A = arith.constant 0 : i32
    %add3A_2 = arith.addi %add3A, %select_n3A : i32
    %get3A_3 = arith.constant 2 : index
    %get3A_4 = memref.load %arg1[%get3A_3] : memref<9xi32, #tpu.memory_space<smem>>
    %le3A_5 = arith.cmpi sle, %get3A_4, %arg0 : i32
    %jit3A_6 = arith.constant 1 : i32
    %jit3A_7 = arith.constant 0 : i32
    %select_n3A_8 = arith.select %le3A_5, %jit3A_6, %jit3A_7 : i32
    %add3A_9 = arith.addi %add3A_2, %select_n3A_8 : i32
    %get3A_10 = arith.constant 3 : index
    %get3A_11 = memref.load %arg1[%get3A_10] : memref<9xi32, #tpu.memory_space<smem>>
    %le3A_12 = arith.cmpi sle, %get3A_11, %arg0 : i32
    %jit3A_13 = arith.constant 1 : i32
    %jit3A_14 = arith.constant 0 : i32
    %select_n3A_15 = arith.select %le3A_12, %jit3A_13, %jit3A_14 : i32
    %add3A_16 = arith.addi %add3A_9, %select_n3A_15 : i32
    %get3A_17 = arith.constant 4 : index
    %get3A_18 = memref.load %arg1[%get3A_17] : memref<9xi32, #tpu.memory_space<smem>>
    %le3A_19 = arith.cmpi sle, %get3A_18, %arg0 : i32
    %jit3A_20 = arith.constant 1 : i32
    %jit3A_21 = arith.constant 0 : i32
    %select_n3A_22 = arith.select %le3A_19, %jit3A_20, %jit3A_21 : i32
    %add3A_23 = arith.addi %add3A_16, %select_n3A_22 : i32
    %get3A_24 = arith.constant 5 : index
    %get3A_25 = memref.load %arg1[%get3A_24] : memref<9xi32, #tpu.memory_space<smem>>
    %le3A_26 = arith.cmpi sle, %get3A_25, %arg0 : i32
    %jit3A_27 = arith.constant 1 : i32
    %jit3A_28 = arith.constant 0 : i32
    %select_n3A_29 = arith.select %le3A_26, %jit3A_27, %jit3A_28 : i32
    %add3A_30 = arith.addi %add3A_23, %select_n3A_29 : i32
    %get3A_31 = arith.constant 6 : index
    %get3A_32 = memref.load %arg1[%get3A_31] : memref<9xi32, #tpu.memory_space<smem>>
    %le3A_33 = arith.cmpi sle, %get3A_32, %arg0 : i32
    %jit3A_34 = arith.constant 1 : i32
    %jit3A_35 = arith.constant 0 : i32
    %select_n3A_36 = arith.select %le3A_33, %jit3A_34, %jit3A_35 : i32
    %add3A_37 = arith.addi %add3A_30, %select_n3A_36 : i32
    %get3A_38 = arith.constant 7 : index
    %get3A_39 = memref.load %arg1[%get3A_38] : memref<9xi32, #tpu.memory_space<smem>>
    %le3A_40 = arith.cmpi sle, %get3A_39, %arg0 : i32
    %jit3A_41 = arith.constant 1 : i32
    %jit3A_42 = arith.constant 0 : i32
    %select_n3A_43 = arith.select %le3A_40, %jit3A_41, %jit3A_42 : i32
    %add3A_44 = arith.addi %add3A_37, %select_n3A_43 : i32
    %c0_i32 = arith.constant 0 : i32
    %c0_i32_45 = arith.constant 0 : i32
    %c0_i32_46 = arith.constant 0 : i32
    return %add3A_44, %c0_i32, %c0_i32_45 : i32, i32, i32
  }
  func.func @transform_3(%arg0: i32, %arg1: memref<9xi32, #tpu.memory_space<smem>>) -> (i32, i32, i32) {
    %get3A = arith.constant 1 : index
    %get3A_0 = memref.load %arg1[%get3A] : memref<9xi32, #tpu.memory_space<smem>>
    %le3A = arith.cmpi sle, %get3A_0, %arg0 : i32
    %jit3A = arith.constant 1 : i32
    %jit3A_1 = arith.constant 0 : i32
    %select_n3A = arith.select %le3A, %jit3A, %jit3A_1 : i32
    %add3A = arith.constant 0 : i32
    %add3A_2 = arith.addi %add3A, %select_n3A : i32
    %get3A_3 = arith.constant 2 : index
    %get3A_4 = memref.load %arg1[%get3A_3] : memref<9xi32, #tpu.memory_space<smem>>
    %le3A_5 = arith.cmpi sle, %get3A_4, %arg0 : i32
    %jit3A_6 = arith.constant 1 : i32
    %jit3A_7 = arith.constant 0 : i32
    %select_n3A_8 = arith.select %le3A_5, %jit3A_6, %jit3A_7 : i32
    %add3A_9 = arith.addi %add3A_2, %select_n3A_8 : i32
    %get3A_10 = arith.constant 3 : index
    %get3A_11 = memref.load %arg1[%get3A_10] : memref<9xi32, #tpu.memory_space<smem>>
    %le3A_12 = arith.cmpi sle, %get3A_11, %arg0 : i32
    %jit3A_13 = arith.constant 1 : i32
    %jit3A_14 = arith.constant 0 : i32
    %select_n3A_15 = arith.select %le3A_12, %jit3A_13, %jit3A_14 : i32
    %add3A_16 = arith.addi %add3A_9, %select_n3A_15 : i32
    %get3A_17 = arith.constant 4 : index
    %get3A_18 = memref.load %arg1[%get3A_17] : memref<9xi32, #tpu.memory_space<smem>>
    %le3A_19 = arith.cmpi sle, %get3A_18, %arg0 : i32
    %jit3A_20 = arith.constant 1 : i32
    %jit3A_21 = arith.constant 0 : i32
    %select_n3A_22 = arith.select %le3A_19, %jit3A_20, %jit3A_21 : i32
    %add3A_23 = arith.addi %add3A_16, %select_n3A_22 : i32
    %get3A_24 = arith.constant 5 : index
    %get3A_25 = memref.load %arg1[%get3A_24] : memref<9xi32, #tpu.memory_space<smem>>
    %le3A_26 = arith.cmpi sle, %get3A_25, %arg0 : i32
    %jit3A_27 = arith.constant 1 : i32
    %jit3A_28 = arith.constant 0 : i32
    %select_n3A_29 = arith.select %le3A_26, %jit3A_27, %jit3A_28 : i32
    %add3A_30 = arith.addi %add3A_23, %select_n3A_29 : i32
    %get3A_31 = arith.constant 6 : index
    %get3A_32 = memref.load %arg1[%get3A_31] : memref<9xi32, #tpu.memory_space<smem>>
    %le3A_33 = arith.cmpi sle, %get3A_32, %arg0 : i32
    %jit3A_34 = arith.constant 1 : i32
    %jit3A_35 = arith.constant 0 : i32
    %select_n3A_36 = arith.select %le3A_33, %jit3A_34, %jit3A_35 : i32
    %add3A_37 = arith.addi %add3A_30, %select_n3A_36 : i32
    %get3A_38 = arith.constant 7 : index
    %get3A_39 = memref.load %arg1[%get3A_38] : memref<9xi32, #tpu.memory_space<smem>>
    %le3A_40 = arith.cmpi sle, %get3A_39, %arg0 : i32
    %jit3A_41 = arith.constant 1 : i32
    %jit3A_42 = arith.constant 0 : i32
    %select_n3A_43 = arith.select %le3A_40, %jit3A_41, %jit3A_42 : i32
    %add3A_44 = arith.addi %add3A_37, %select_n3A_43 : i32
    %c0_i32 = arith.constant 0 : i32
    %c0_i32_45 = arith.constant 0 : i32
    %c0_i32_46 = arith.constant 0 : i32
    return %add3A_44, %c0_i32, %c0_i32_45 : i32, i32, i32
  }
  func.func @transform_4(%arg0: i32, %arg1: memref<9xi32, #tpu.memory_space<smem>>) -> (i32, i32, i32) {
    %get3A = arith.constant 1 : index
    %get3A_0 = memref.load %arg1[%get3A] : memref<9xi32, #tpu.memory_space<smem>>
    %le3A = arith.cmpi sle, %get3A_0, %arg0 : i32
    %jit3A = arith.constant 1 : i32
    %jit3A_1 = arith.constant 0 : i32
    %select_n3A = arith.select %le3A, %jit3A, %jit3A_1 : i32
    %add3A = arith.constant 0 : i32
    %add3A_2 = arith.addi %add3A, %select_n3A : i32
    %get3A_3 = arith.constant 2 : index
    %get3A_4 = memref.load %arg1[%get3A_3] : memref<9xi32, #tpu.memory_space<smem>>
    %le3A_5 = arith.cmpi sle, %get3A_4, %arg0 : i32
    %jit3A_6 = arith.constant 1 : i32
    %jit3A_7 = arith.constant 0 : i32
    %select_n3A_8 = arith.select %le3A_5, %jit3A_6, %jit3A_7 : i32
    %add3A_9 = arith.addi %add3A_2, %select_n3A_8 : i32
    %get3A_10 = arith.constant 3 : index
    %get3A_11 = memref.load %arg1[%get3A_10] : memref<9xi32, #tpu.memory_space<smem>>
    %le3A_12 = arith.cmpi sle, %get3A_11, %arg0 : i32
    %jit3A_13 = arith.constant 1 : i32
    %jit3A_14 = arith.constant 0 : i32
    %select_n3A_15 = arith.select %le3A_12, %jit3A_13, %jit3A_14 : i32
    %add3A_16 = arith.addi %add3A_9, %select_n3A_15 : i32
    %get3A_17 = arith.constant 4 : index
    %get3A_18 = memref.load %arg1[%get3A_17] : memref<9xi32, #tpu.memory_space<smem>>
    %le3A_19 = arith.cmpi sle, %get3A_18, %arg0 : i32
    %jit3A_20 = arith.constant 1 : i32
    %jit3A_21 = arith.constant 0 : i32
    %select_n3A_22 = arith.select %le3A_19, %jit3A_20, %jit3A_21 : i32
    %add3A_23 = arith.addi %add3A_16, %select_n3A_22 : i32
    %get3A_24 = arith.constant 5 : index
    %get3A_25 = memref.load %arg1[%get3A_24] : memref<9xi32, #tpu.memory_space<smem>>
    %le3A_26 = arith.cmpi sle, %get3A_25, %arg0 : i32
    %jit3A_27 = arith.constant 1 : i32
    %jit3A_28 = arith.constant 0 : i32
    %select_n3A_29 = arith.select %le3A_26, %jit3A_27, %jit3A_28 : i32
    %add3A_30 = arith.addi %add3A_23, %select_n3A_29 : i32
    %get3A_31 = arith.constant 6 : index
    %get3A_32 = memref.load %arg1[%get3A_31] : memref<9xi32, #tpu.memory_space<smem>>
    %le3A_33 = arith.cmpi sle, %get3A_32, %arg0 : i32
    %jit3A_34 = arith.constant 1 : i32
    %jit3A_35 = arith.constant 0 : i32
    %select_n3A_36 = arith.select %le3A_33, %jit3A_34, %jit3A_35 : i32
    %add3A_37 = arith.addi %add3A_30, %select_n3A_36 : i32
    %get3A_38 = arith.constant 7 : index
    %get3A_39 = memref.load %arg1[%get3A_38] : memref<9xi32, #tpu.memory_space<smem>>
    %le3A_40 = arith.cmpi sle, %get3A_39, %arg0 : i32
    %jit3A_41 = arith.constant 1 : i32
    %jit3A_42 = arith.constant 0 : i32
    %select_n3A_43 = arith.select %le3A_40, %jit3A_41, %jit3A_42 : i32
    %add3A_44 = arith.addi %add3A_37, %select_n3A_43 : i32
    %c0_i32 = arith.constant 0 : i32
    %c0_i32_45 = arith.constant 0 : i32
    %c0_i32_46 = arith.constant 0 : i32
    return %add3A_44, %c0_i32, %c0_i32_45 : i32, i32, i32
  }
  func.func @transform_5(%arg0: i32, %arg1: memref<9xi32, #tpu.memory_space<smem>>) -> (i32, i32) {
    %c0_i32 = arith.constant 0 : i32
    %c0_i32_0 = arith.constant 0 : i32
    return %arg0, %c0_i32 : i32, i32
  }
}

module attributes {stable_mosaic.version = 14 : i64} {
  func.func @_router_kernel(%arg0: memref<4096x768xf32, #tpu.memory_space<vmem>>, %arg1: memref<8x768xf32, #tpu.memory_space<vmem>>, %arg2: memref<1x8xf32, #tpu.memory_space<vmem>>, %arg3: memref<1x4096xi32, #tpu.memory_space<vmem>>, %arg4: memref<9x1xi32, #tpu.memory_space<vmem>>) attributes {dimension_semantics = [], scalar_prefetch = 0 : i64, scratch_operands = 0 : i64, tpu.core_type = #tpu.core_type<tc>} {
    %get3A = arith.constant 0 : index
    %get3A_0 = arith.constant 0 : index
    %get3A_1 = vector.load %arg1[%get3A, %get3A_0] : memref<8x768xf32, #tpu.memory_space<vmem>>, vector<8x768xf32>
    %get3A_2 = arith.constant 0 : index
    %get3A_3 = arith.constant 0 : index
    %get3A_4 = vector.load %arg0[%get3A_2, %get3A_3] : memref<4096x768xf32, #tpu.memory_space<vmem>>, vector<4096x768xf32>
    %dot_general3A = arith.constant dense<0.000000e+00> : vector<8x4096xf32>
    %dot_general3A_5 = tpu.matmul %get3A_1, %get3A_4, %dot_general3A {dimension_numbers = #tpu.dot_dimension_numbers<[1], [1], [0], [0], [0, 0, 1, 0], [], []>, transpose_lhs_hint = false} : vector<8x768xf32>, vector<4096x768xf32>, vector<8x4096xf32> -> vector<8x4096xf32>
    %get3A_6 = arith.constant 0 : index
    %get3A_7 = arith.constant 0 : index
    %get3A_8 = vector.load %arg2[%get3A_6, %get3A_7] : memref<1x8xf32, #tpu.memory_space<vmem>>, vector<1x8xf32>
    %reshape3A = vector.shape_cast %get3A_8 : vector<1x8xf32> to vector<8x1xf32>
    %add3A = vector.broadcast %reshape3A : vector<8x1xf32> to vector<8x4096xf32>
    %add3A_9 = arith.addf %dot_general3A_5, %add3A : vector<8x4096xf32>
    %reduce_max3A = arith.constant dense<0xFF800000> : vector<4096xf32>
    %reduce_max3A_10 = vector.multi_reduction <maximumf>, %add3A_9, %reduce_max3A [0] : vector<8x4096xf32> to vector<4096xf32>
    %broadcast_in_dim3A = vector.shape_cast %reduce_max3A_10 : vector<4096xf32> to vector<1x4096xf32>
    %iota3A = tpu.iota {dimensions = array<i32: 0>} : vector<8x4096xi32>
    %eq3A = vector.broadcast %broadcast_in_dim3A : vector<1x4096xf32> to vector<8x4096xf32>
    %eq3A_11 = arith.cmpf oeq, %add3A_9, %eq3A : vector<8x4096xf32>
    %jit3A = arith.constant 8 : i32
    %broadcast_in_dim3A_12 = vector.broadcast %jit3A : i32 to vector<8x4096xi32>
    %select_n3A = arith.select %eq3A_11, %iota3A, %broadcast_in_dim3A_12 : vector<8x4096xi1>, vector<8x4096xi32>
    %reduce_min3A = arith.constant dense<2147483647> : vector<4096xi32>
    %reduce_min3A_13 = vector.multi_reduction <minsi>, %select_n3A, %reduce_min3A [0] : vector<8x4096xi32> to vector<4096xi32>
    %broadcast_in_dim3A_14 = vector.shape_cast %reduce_min3A_13 : vector<4096xi32> to vector<1x4096xi32>
    %eq3A_15 = vector.broadcast %broadcast_in_dim3A_14 : vector<1x4096xi32> to vector<8x4096xi32>
    %eq3A_16 = arith.cmpi eq, %iota3A, %eq3A_15 : vector<8x4096xi32>
    %convert_element_type3A = arith.extui %eq3A_16 : vector<8x4096xi1> to vector<8x4096xi32>
    %convert_element_type3A_17 = arith.sitofp %convert_element_type3A : vector<8x4096xi32> to vector<8x4096xf32>
    %iota3A_18 = tpu.iota {dimensions = array<i32: 0>} : vector<512x512xi32>
    %iota3A_19 = tpu.iota {dimensions = array<i32: 1>} : vector<512x512xi32>
    %le3A = arith.cmpi sle, %iota3A_18, %iota3A_19 : vector<512x512xi32>
    %convert_element_type3A_20 = arith.extui %le3A : vector<512x512xi1> to vector<512x512xi32>
    %convert_element_type3A_21 = arith.sitofp %convert_element_type3A_20 : vector<512x512xi32> to vector<512x512xf32>
    %broadcast_in_dim3A_22 = arith.constant 0.000000e+00 : f32
    %broadcast_in_dim3A_23 = vector.broadcast %broadcast_in_dim3A_22 : f32 to vector<8x1xf32>
    %slice3A = vector.extract_strided_slice %convert_element_type3A_17 {offsets = [0, 0], sizes = [8, 512], strides = [1, 1]} : vector<8x4096xf32> to vector<8x512xf32>
    %dot_general3A_24 = arith.constant dense<0.000000e+00> : vector<8x512xf32>
    %dot_general3A_25 = tpu.matmul %slice3A, %convert_element_type3A_21, %dot_general3A_24 {dimension_numbers = #tpu.dot_dimension_numbers<[1], [0], [0], [1], [0, 0, 1, 1], [], []>, precision = #tpu.contract_precision<fp32>, transpose_lhs_hint = false} : vector<8x512xf32>, vector<512x512xf32>, vector<8x512xf32> -> vector<8x512xf32>
    %add3A_26 = vector.broadcast %broadcast_in_dim3A_23 : vector<8x1xf32> to vector<8x512xf32>
    %add3A_27 = arith.addf %dot_general3A_25, %add3A_26 : vector<8x512xf32>
    %slice3A_28 = vector.extract_strided_slice %add3A_27 {offsets = [0, 511], sizes = [8, 1], strides = [1, 1]} : vector<8x512xf32> to vector<8x1xf32>
    %slice3A_29 = vector.extract_strided_slice %convert_element_type3A_17 {offsets = [0, 512], sizes = [8, 512], strides = [1, 1]} : vector<8x4096xf32> to vector<8x512xf32>
    %dot_general3A_30 = arith.constant dense<0.000000e+00> : vector<8x512xf32>
    %dot_general3A_31 = tpu.matmul %slice3A_29, %convert_element_type3A_21, %dot_general3A_30 {dimension_numbers = #tpu.dot_dimension_numbers<[1], [0], [0], [1], [0, 0, 1, 1], [], []>, precision = #tpu.contract_precision<fp32>, transpose_lhs_hint = false} : vector<8x512xf32>, vector<512x512xf32>, vector<8x512xf32> -> vector<8x512xf32>
    %add3A_32 = vector.broadcast %slice3A_28 : vector<8x1xf32> to vector<8x512xf32>
    %add3A_33 = arith.addf %dot_general3A_31, %add3A_32 : vector<8x512xf32>
    %slice3A_34 = vector.extract_strided_slice %add3A_33 {offsets = [0, 511], sizes = [8, 1], strides = [1, 1]} : vector<8x512xf32> to vector<8x1xf32>
    %slice3A_35 = vector.extract_strided_slice %convert_element_type3A_17 {offsets = [0, 1024], sizes = [8, 512], strides = [1, 1]} : vector<8x4096xf32> to vector<8x512xf32>
    %dot_general3A_36 = arith.constant dense<0.000000e+00> : vector<8x512xf32>
    %dot_general3A_37 = tpu.matmul %slice3A_35, %convert_element_type3A_21, %dot_general3A_36 {dimension_numbers = #tpu.dot_dimension_numbers<[1], [0], [0], [1], [0, 0, 1, 1], [], []>, precision = #tpu.contract_precision<fp32>, transpose_lhs_hint = false} : vector<8x512xf32>, vector<512x512xf32>, vector<8x512xf32> -> vector<8x512xf32>
    %add3A_38 = vector.broadcast %slice3A_34 : vector<8x1xf32> to vector<8x512xf32>
    %add3A_39 = arith.addf %dot_general3A_37, %add3A_38 : vector<8x512xf32>
    %slice3A_40 = vector.extract_strided_slice %add3A_39 {offsets = [0, 511], sizes = [8, 1], strides = [1, 1]} : vector<8x512xf32> to vector<8x1xf32>
    %slice3A_41 = vector.extract_strided_slice %convert_element_type3A_17 {offsets = [0, 1536], sizes = [8, 512], strides = [1, 1]} : vector<8x4096xf32> to vector<8x512xf32>
    %dot_general3A_42 = arith.constant dense<0.000000e+00> : vector<8x512xf32>
    %dot_general3A_43 = tpu.matmul %slice3A_41, %convert_element_type3A_21, %dot_general3A_42 {dimension_numbers = #tpu.dot_dimension_numbers<[1], [0], [0], [1], [0, 0, 1, 1], [], []>, precision = #tpu.contract_precision<fp32>, transpose_lhs_hint = false} : vector<8x512xf32>, vector<512x512xf32>, vector<8x512xf32> -> vector<8x512xf32>
    %add3A_44 = vector.broadcast %slice3A_40 : vector<8x1xf32> to vector<8x512xf32>
    %add3A_45 = arith.addf %dot_general3A_43, %add3A_44 : vector<8x512xf32>
    %slice3A_46 = vector.extract_strided_slice %add3A_45 {offsets = [0, 511], sizes = [8, 1], strides = [1, 1]} : vector<8x512xf32> to vector<8x1xf32>
    %slice3A_47 = vector.extract_strided_slice %convert_element_type3A_17 {offsets = [0, 2048], sizes = [8, 512], strides = [1, 1]} : vector<8x4096xf32> to vector<8x512xf32>
    %dot_general3A_48 = arith.constant dense<0.000000e+00> : vector<8x512xf32>
    %dot_general3A_49 = tpu.matmul %slice3A_47, %convert_element_type3A_21, %dot_general3A_48 {dimension_numbers = #tpu.dot_dimension_numbers<[1], [0], [0], [1], [0, 0, 1, 1], [], []>, precision = #tpu.contract_precision<fp32>, transpose_lhs_hint = false} : vector<8x512xf32>, vector<512x512xf32>, vector<8x512xf32> -> vector<8x512xf32>
    %add3A_50 = vector.broadcast %slice3A_46 : vector<8x1xf32> to vector<8x512xf32>
    %add3A_51 = arith.addf %dot_general3A_49, %add3A_50 : vector<8x512xf32>
    %slice3A_52 = vector.extract_strided_slice %add3A_51 {offsets = [0, 511], sizes = [8, 1], strides = [1, 1]} : vector<8x512xf32> to vector<8x1xf32>
    %slice3A_53 = vector.extract_strided_slice %convert_element_type3A_17 {offsets = [0, 2560], sizes = [8, 512], strides = [1, 1]} : vector<8x4096xf32> to vector<8x512xf32>
    %dot_general3A_54 = arith.constant dense<0.000000e+00> : vector<8x512xf32>
    %dot_general3A_55 = tpu.matmul %slice3A_53, %convert_element_type3A_21, %dot_general3A_54 {dimension_numbers = #tpu.dot_dimension_numbers<[1], [0], [0], [1], [0, 0, 1, 1], [], []>, precision = #tpu.contract_precision<fp32>, transpose_lhs_hint = false} : vector<8x512xf32>, vector<512x512xf32>, vector<8x512xf32> -> vector<8x512xf32>
    %add3A_56 = vector.broadcast %slice3A_52 : vector<8x1xf32> to vector<8x512xf32>
    %add3A_57 = arith.addf %dot_general3A_55, %add3A_56 : vector<8x512xf32>
    %slice3A_58 = vector.extract_strided_slice %add3A_57 {offsets = [0, 511], sizes = [8, 1], strides = [1, 1]} : vector<8x512xf32> to vector<8x1xf32>
    %slice3A_59 = vector.extract_strided_slice %convert_element_type3A_17 {offsets = [0, 3072], sizes = [8, 512], strides = [1, 1]} : vector<8x4096xf32> to vector<8x512xf32>
    %dot_general3A_60 = arith.constant dense<0.000000e+00> : vector<8x512xf32>
    %dot_general3A_61 = tpu.matmul %slice3A_59, %convert_element_type3A_21, %dot_general3A_60 {dimension_numbers = #tpu.dot_dimension_numbers<[1], [0], [0], [1], [0, 0, 1, 1], [], []>, precision = #tpu.contract_precision<fp32>, transpose_lhs_hint = false} : vector<8x512xf32>, vector<512x512xf32>, vector<8x512xf32> -> vector<8x512xf32>
    %add3A_62 = vector.broadcast %slice3A_58 : vector<8x1xf32> to vector<8x512xf32>
    %add3A_63 = arith.addf %dot_general3A_61, %add3A_62 : vector<8x512xf32>
    %slice3A_64 = vector.extract_strided_slice %add3A_63 {offsets = [0, 511], sizes = [8, 1], strides = [1, 1]} : vector<8x512xf32> to vector<8x1xf32>
    %slice3A_65 = vector.extract_strided_slice %convert_element_type3A_17 {offsets = [0, 3584], sizes = [8, 512], strides = [1, 1]} : vector<8x4096xf32> to vector<8x512xf32>
    %dot_general3A_66 = arith.constant dense<0.000000e+00> : vector<8x512xf32>
    %dot_general3A_67 = tpu.matmul %slice3A_65, %convert_element_type3A_21, %dot_general3A_66 {dimension_numbers = #tpu.dot_dimension_numbers<[1], [0], [0], [1], [0, 0, 1, 1], [], []>, precision = #tpu.contract_precision<fp32>, transpose_lhs_hint = false} : vector<8x512xf32>, vector<512x512xf32>, vector<8x512xf32> -> vector<8x512xf32>
    %add3A_68 = vector.broadcast %slice3A_64 : vector<8x1xf32> to vector<8x512xf32>
    %add3A_69 = arith.addf %dot_general3A_67, %add3A_68 : vector<8x512xf32>
    %slice3A_70 = vector.extract_strided_slice %add3A_69 {offsets = [0, 511], sizes = [8, 1], strides = [1, 1]} : vector<8x512xf32> to vector<8x1xf32>
    %concatenate3A = tpu.concatenate %add3A_27, %add3A_33, %add3A_39, %add3A_45, %add3A_51, %add3A_57, %add3A_63, %add3A_69 in 1 : vector<8x512xf32>, vector<8x512xf32>, vector<8x512xf32>, vector<8x512xf32>, vector<8x512xf32>, vector<8x512xf32>, vector<8x512xf32>, vector<8x512xf32> -> vector<8x4096xf32>
    %add3A_71 = arith.constant 5.000000e-01 : f32
    %add3A_72 = vector.broadcast %add3A_71 : f32 to vector<8x1xf32>
    %add3A_73 = arith.addf %slice3A_70, %add3A_72 : vector<8x1xf32>
    %convert_element_type3A_74 = arith.fptosi %add3A_73 : vector<8x1xf32> to vector<8x1xi32>
    %add3A_75 = arith.constant 255 : i32
    %add3A_76 = vector.broadcast %add3A_75 : i32 to vector<8x1xi32>
    %add3A_77 = arith.addi %convert_element_type3A_74, %add3A_76 : vector<8x1xi32>
    %jit3A_78 = arith.constant 256 : i32
    %div3A = vector.broadcast %jit3A_78 : i32 to vector<8x1xi32>
    %div3A_79 = arith.divsi %add3A_77, %div3A : vector<8x1xi32>
    %sign3A = arith.constant 0 : i32
    %sign3A_80 = vector.broadcast %sign3A : i32 to vector<8x1xi32>
    %sign3A_81 = arith.cmpi sgt, %add3A_77, %sign3A_80 : vector<8x1xi32>
    %sign3A_82 = arith.extui %sign3A_81 : vector<8x1xi1> to vector<8x1xi32>
    %sign3A_83 = arith.constant 0 : i32
    %sign3A_84 = vector.broadcast %sign3A_83 : i32 to vector<8x1xi32>
    %sign3A_85 = arith.cmpi slt, %add3A_77, %sign3A_84 : vector<8x1xi32>
    %sign3A_86 = arith.extui %sign3A_85 : vector<8x1xi1> to vector<8x1xi32>
    %sign3A_87 = arith.subi %sign3A_82, %sign3A_86 : vector<8x1xi32>
    %sign3A_88 = arith.constant 0 : i32
    %sign3A_89 = arith.cmpi sgt, %jit3A_78, %sign3A_88 : i32
    %sign3A_90 = arith.extui %sign3A_89 : i1 to i32
    %sign3A_91 = arith.constant 0 : i32
    %sign3A_92 = arith.cmpi slt, %jit3A_78, %sign3A_91 : i32
    %sign3A_93 = arith.extui %sign3A_92 : i1 to i32
    %sign3A_94 = arith.subi %sign3A_90, %sign3A_93 : i32
    %ne3A = vector.broadcast %sign3A_94 : i32 to vector<8x1xi32>
    %ne3A_95 = arith.cmpi ne, %sign3A_87, %ne3A : vector<8x1xi32>
    %rem3A = vector.broadcast %jit3A_78 : i32 to vector<8x1xi32>
    %rem3A_96 = arith.remsi %add3A_77, %rem3A : vector<8x1xi32>
    %ne3A_97 = arith.constant 0 : i32
    %ne3A_98 = vector.broadcast %ne3A_97 : i32 to vector<8x1xi32>
    %ne3A_99 = arith.cmpi ne, %rem3A_96, %ne3A_98 : vector<8x1xi32>
    %and3A = arith.andi %ne3A_95, %ne3A_99 : vector<8x1xi1>
    %sub3A = arith.constant 1 : i32
    %sub3A_100 = vector.broadcast %sub3A : i32 to vector<8x1xi32>
    %sub3A_101 = arith.subi %div3A_79, %sub3A_100 : vector<8x1xi32>
    %select_n3A_102 = arith.select %and3A, %sub3A_101, %div3A_79 : vector<8x1xi1>, vector<8x1xi32>
    %convert_element_type3A_103 = arith.sitofp %select_n3A_102 : vector<8x1xi32> to vector<8x1xf32>
    %iota3A_104 = tpu.iota {dimensions = array<i32: 0>} : vector<9x8xi32>
    %iota3A_105 = tpu.iota {dimensions = array<i32: 1>} : vector<9x8xi32>
    %lt3A = arith.cmpi slt, %iota3A_105, %iota3A_104 : vector<9x8xi32>
    %convert_element_type3A_106 = arith.extui %lt3A : vector<9x8xi1> to vector<9x8xi32>
    %convert_element_type3A_107 = arith.sitofp %convert_element_type3A_106 : vector<9x8xi32> to vector<9x8xf32>
    %dot_general3A_108 = arith.constant dense<0.000000e+00> : vector<9x1xf32>
    %dot_general3A_109 = tpu.matmul %convert_element_type3A_107, %convert_element_type3A_103, %dot_general3A_108 {dimension_numbers = #tpu.dot_dimension_numbers<[1], [0], [0], [1], [0, 0, 1, 1], [], []>, precision = #tpu.contract_precision<fp32>, transpose_lhs_hint = false} : vector<9x8xf32>, vector<8x1xf32>, vector<9x1xf32> -> vector<9x1xf32>
    %slice3A_110 = vector.extract_strided_slice %dot_general3A_109 {offsets = [0, 0], sizes = [8, 1], strides = [1, 1]} : vector<9x1xf32> to vector<8x1xf32>
    %mul3A = arith.constant 2.560000e+02 : f32
    %mul3A_111 = vector.broadcast %mul3A : f32 to vector<8x1xf32>
    %mul3A_112 = arith.mulf %slice3A_110, %mul3A_111 : vector<8x1xf32>
    %add3A_113 = vector.broadcast %mul3A_112 : vector<8x1xf32> to vector<8x4096xf32>
    %add3A_114 = arith.addf %concatenate3A, %add3A_113 : vector<8x4096xf32>
    %mul3A_115 = arith.mulf %convert_element_type3A_17, %add3A_114 : vector<8x4096xf32>
    %reduce_sum3A = arith.constant dense<0.000000e+00> : vector<4096xf32>
    %reduce_sum3A_116 = vector.multi_reduction <add>, %mul3A_115, %reduce_sum3A [0] : vector<8x4096xf32> to vector<4096xf32>
    %broadcast_in_dim3A_117 = vector.shape_cast %reduce_sum3A_116 : vector<4096xf32> to vector<1x4096xf32>
    %sub3A_118 = arith.constant 1.000000e+00 : f32
    %sub3A_119 = vector.broadcast %sub3A_118 : f32 to vector<1x4096xf32>
    %sub3A_120 = arith.subf %broadcast_in_dim3A_117, %sub3A_119 : vector<1x4096xf32>
    %add3A_121 = arith.constant 5.000000e-01 : f32
    %add3A_122 = vector.broadcast %add3A_121 : f32 to vector<1x4096xf32>
    %add3A_123 = arith.addf %sub3A_120, %add3A_122 : vector<1x4096xf32>
    %convert_element_type3A_124 = arith.fptosi %add3A_123 : vector<1x4096xf32> to vector<1x4096xi32>
    %swap3A = arith.constant 0 : index
    %swap3A_125 = arith.constant 0 : index
    %swap3A_126 = vector.load %arg3[%swap3A, %swap3A_125] : memref<1x4096xi32, #tpu.memory_space<vmem>>, vector<1x4096xi32>
    tpu.vector_store %arg3[%swap3A, %swap3A_125], %convert_element_type3A_124 {strides = array<i32>} : memref<1x4096xi32, #tpu.memory_space<vmem>>, vector<1x4096xi32>,
    %add3A_127 = arith.constant 5.000000e-01 : f32
    %add3A_128 = vector.broadcast %add3A_127 : f32 to vector<9x1xf32>
    %add3A_129 = arith.addf %dot_general3A_109, %add3A_128 : vector<9x1xf32>
    %convert_element_type3A_130 = arith.fptosi %add3A_129 : vector<9x1xf32> to vector<9x1xi32>
    %swap3A_131 = arith.constant 0 : index
    %swap3A_132 = arith.constant 0 : index
    %swap3A_133 = vector.load %arg4[%swap3A_131, %swap3A_132] : memref<9x1xi32, #tpu.memory_space<vmem>>, vector<9x1xi32>
    tpu.vector_store %arg4[%swap3A_131, %swap3A_132], %convert_element_type3A_130 {strides = array<i32>} : memref<9x1xi32, #tpu.memory_space<vmem>>, vector<9x1xi32>,
    return
  }
}

</mosaic_0001>

<sc_bundles>
// kernel: kernel.6.cloned.1.call-start
scs
__scs_entry_jumppad:
0x0: {  	(pc) =	sbr.rel $0x88, $3  }
0x1: {  	(tag) =	ssettag $0x0;
	lr =	simm.s32 $0x1  }
0x2: {  	[smem:$0x3F9A] =	sst lr;
	_ =	strace $0xD0000000  }
0x3: {  	_ = 	snop  }
0x4: {  	_ = 	snop  }
0x5: {  	_ = 	snop  }
0x6: {  	_ = 	snop  }
0x7: {  	_ = 	snop  }
__scs_overlays_trampoline_lowered:
0x8: {  	[smem:$0x3FA9] =	sst s0  }
0x9: {  	[smem:$0x3FAA] =	sst s1  }
0xa: {  	[smem:$0x3FAB] =	sst s2  }
0xb: {  	[smem:$0x3FAC] =	sst s3  }
0xc: {  	[smem:$0x3FAD] =	sst s4  }
0xd: {  	[smem:$0x3FAE] =	sst s5  }
0xe: {  	[smem:$0x3FAF] =	sst s6  }
0xf: {  	[smem:$0x3FB0] =	sst s7  }
0x10: {  	[smem:$0x3FB1] =	sst s8  }
0x11: {  	[smem:$0x3FB2] =	sst s9;
	s0 =	simm.s32 @!p0 $0x0  }
0x12: {  	s1 =	sld [smem:$0x3F98];
	s0 =	simm.s32 @p0 $0x1  }
0x13: {  	[smem:$0x3FB3] =	sst s0;
	s0 =	simm.s32 @!p1 $0x0  }
0x14: {  	s2 =	sld [smem:$0x3F97];
	s0 =	simm.s32 @p1 $0x1  }
0x15: {  	[smem:$0x3FB4] =	sst s0;
	s0 =	simm.s32 @!p2 $0x0  }
0x16: {  	s3 =	sld [smem:$0x3FDB];
	s0 =	simm.s32 @p2 $0x1  }
0x17: {  	s4 =	simm.s32 $0x1BF5;
	[smem:$0x3FB6] =	sst s0  }
0x18: {  	s0 =	sld [smem:$0x3F99];
	_ =	swait.ge [sflag:s4], $0x0  }
0x19: {  	s7 =	sld [smem:$0x3F9A]  }
0x1a: {  	s8 =	sadd.s32 $0xFFFFE003, lr  }
0x1b: {  	s9 =	sadd.s32 $0xFFFFFEF7, lr;
	s5 =	simm.s32 $0xFFFFFFFF;
	p2 =	slt.u32 s8, $0xFFFFF086  }
0x1c: {  	p1 =	slt.u32 s9, $0xF7A;
	s5 =	simm.s32 @!p2 $0x0  }
0x1d: {  	s5 =	simm.s32 @p1 $0x1;
	p0 =	seq.s32 s7, s2  }
0x1e: {  	s7 =	smul.u32 @!p0 $0xF7A, s2;
	p2 =	seq.s32 @!p0 s5, $0x0  }
0x1f: {  	s9 =	smul.u32 $0xF7A, s1;
	s8 =	simm.s32 @!p0 $0x1BF5;
	p2 =	por !p2, p0  }
0x20: {  	[sflag:s8] =	ssyncset.s32 @!p0 $0xFFFFF086;
	s6 =	sadd.s32 @!p0 s3, s7;
	s7 =	simm.s32 @!p0 $0x108  }
0x21: {  	s3 =	sadd.s32 s3, s9;
	s6 =	sadd.s32 @!p0 $0x88, s6;
	s7 =	simm.s32 @p2 $0x1082  }
0x22: {  	[simem:s7], [sflag:s8] =	dma.local @!p0 [hbm:s6], $0xF7A  }
0x23: {  	s9 =	sor.u32 $0xD0000000, s2;
	s6 =	simm.s32 $0x108;
	_ =	swait.ge @!p0 [sflag:s8], $0x0  }
0x24: {  	s3 =	sadd.s32 $0x88, s3;
	s6 =	simm.s32 @!p1 $0x1082;
	[sflag:s4] =	ssyncset.s32 $0xFFFFF086  }
0x25: {  	[simem:s6], [sflag:s4] =	dma.local [hbm:s3], $0xF7A  }
0x26: {  	[smem:$0x3F9A] =	sst s1;
	(tag) =	ssettag s2;
	_ =	strace s9  }
0x27: {  	s1 =	sld [smem:$0x3FAA]  }
0x28: {  	s2 =	sld [smem:$0x3FAB]  }
0x29: {  	s4 =	sld [smem:$0x3FAD]  }
0x2a: {  	p0 =	seq.s32 s5, $0x0;
	s5 =	sld [smem:$0x3FAE]  }
0x2b: {  	s6 =	sld [smem:$0x3FAF]  }
0x2c: {  	s7 =	sld [smem:$0x3FB0]  }
0x2d: {  	s3 =	simm.s32 $0x108;
	s8 =	sld [smem:$0x3FB1]  }
0x2e: {  	s3 =	simm.s32 @!p0 $0x1082;
	s9 =	sld [smem:$0x3FB2]  }
0x2f: {  	lr =	sadd.s32 s0, s3;
	s0 =	sld [smem:$0x3FA9]  }
0x30: {  	s3 =	sld [smem:$0x3FAC]  }
0x31: {  	[smem:$0x3FB5] =	sst s10  }
0x32: {  	s10 =	sld [smem:$0x3FB3];
	_ =	sdelay $0x3  }
0x33: {  	p0 =	seq.s32 s10, $0x1;
	s10 =	sld [smem:$0x3FB5];
	_ =	sdelay $0x3  }
0x34: {  	[smem:$0x3FB5] =	sst s10  }
0x35: {  	s10 =	sld [smem:$0x3FB4];
	_ =	sdelay $0x3  }
0x36: {  	p1 =	seq.s32 s10, $0x1;
	s10 =	sld [smem:$0x3FB5];
	_ =	sdelay $0x3  }
0x37: {  	[smem:$0x3FB5] =	sst s10  }
0x38: {  	s10 =	sld [smem:$0x3FB6]  }
0x39: {  	_ = 	snop;
	(pc) =	sbr.ind lr, $3  }
0x3a: {  	_ = 	snop  }
0x3b: {  	_ = 	snop  }
0x3c: {  	p2 =	seq.s32 s10, $0x1;
	s10 =	sld [smem:$0x3FB5]  }
0x3d: {  	_ =	shalt  }
0x3e: {  	_ =	shalt  }
0x3f: {  	_ =	shalt  }
0x40: {  	_ =	shalt  }
0x41: {  	_ =	shalt  }
0x42: {  	_ =	shalt  }
0x43: {  	_ =	shalt  }
0x44: {  	_ =	shalt  }
0x45: {  	_ =	shalt  }
0x46: {  	_ =	shalt  }
0x47: {  	_ =	shalt  }
0x48: {  	_ =	shalt  }
0x49: {  	_ =	shalt  }
0x4a: {  	_ =	shalt  }
0x4b: {  	_ =	shalt  }
0x4c: {  	_ =	shalt  }
0x4d: {  	_ =	shalt  }
0x4e: {  	_ =	shalt  }
0x4f: {  	_ =	shalt  }
0x50: {  	_ =	shalt  }
0x51: {  	_ =	shalt  }
0x52: {  	_ =	shalt  }
0x53: {  	_ =	shalt  }
0x54: {  	_ =	shalt  }
0x55: {  	_ =	shalt  }
0x56: {  	_ =	shalt  }
0x57: {  	_ =	shalt  }
0x58: {  	_ =	shalt  }
0x59: {  	_ =	shalt  }
0x5a: {  	_ =	shalt  }
0x5b: {  	_ =	shalt  }
0x5c: {  	_ =	shalt  }
0x5d: {  	_ =	shalt  }
0x5e: {  	_ =	shalt  }
0x5f: {  	_ =	shalt  }
0x60: {  	_ =	shalt  }
0x61: {  	_ =	shalt  }
0x62: {  	_ =	shalt  }
0x63: {  	_ =	shalt  }
0x64: {  	_ =	shalt  }
0x65: {  	_ =	shalt  }
0x66: {  	_ =	shalt  }
0x67: {  	_ =	shalt  }
0x68: {  	_ =	shalt  }
0x69: {  	_ =	shalt  }
0x6a: {  	_ =	shalt  }
0x6b: {  	_ =	shalt  }
0x6c: {  	_ =	shalt  }
0x6d: {  	_ =	shalt  }
0x6e: {  	_ =	shalt  }
0x6f: {  	_ =	shalt  }
0x70: {  	_ =	shalt  }
0x71: {  	_ =	shalt  }
0x72: {  	_ =	shalt  }
0x73: {  	_ =	shalt  }
0x74: {  	_ =	shalt  }
0x75: {  	_ =	shalt  }
0x76: {  	_ =	shalt  }
0x77: {  	_ =	shalt  }
0x78: {  	_ =	shalt  }
0x79: {  	_ =	shalt  }
0x7a: {  	_ =	shalt  }
0x7b: {  	_ =	shalt  }
0x7c: {  	_ =	shalt  }
0x7d: {  	_ =	shalt  }
0x7e: {  	_ =	shalt  }
0x7f: {  	_ =	shalt  }
0x80: {  	_ =	shalt  }
0x81: {  	_ =	shalt  }
0x82: {  	_ =	shalt  }
0x83: {  	_ =	shalt  }
0x84: {  	_ =	shalt  }
0x85: {  	_ =	shalt  }
0x86: {  	_ =	shalt  }
0x87: {  	_ =	shalt  }
.Lfunc_end0:
.L_simem_size_0:
called_computation_lowered:
.L_overlay_start_0:
0x88: {  	s2 =	sld [smem:$0x3FD9]  }
0x89: {  	s3 =	sld [smem:$0x3FFE];
	_ =	sdelay $0x1  }
0x8a: {  	s1 =	srdreg.scid  }
0x8b: {  	s0 =	sand.u32 $0x1, s1  }
0x8c: {  	s17 =	sshll.u32 s0, $0xA;
	s2 =	sadd.s32 s3, s2  }
0x8d: {  	s2 =	sadd.s32 s2, s17  }
0x8e: {  	[smem:$0x3FC1] =	sst s2  }
0x8f: {  	_ = 	snop  }
0x90: {  	s2 =	sld [smem:$0x3FC9];
	(tm) =	ssettm $0x1  }
0x91: {  	s18 =	sld [smem:$0x3FFB];
	_ =	sdelay $0x3  }
0x92: {  	_ =	strace s18  }
0x93: {  	s3 =	sld [smem:$0x3FFC];
	_ =	sdelay $0x3  }
0x94: {  	_ =	strace s3  }
0x95: {  	s3 =	sld [smem:$0x3FFD];
	_ =	sdelay $0x3  }
0x96: {  	_ =	strace s3  }
0x97: {  	_ =	strace $0x8FFFFFFF  }
0x98: {  	s19 =	sld [smem:$0x3FDB];
	_ =	sdelay $0x1  }
0x99: {  	s4 =	simm.s32 $_scs_section_size  }
0x9a: {  	s5 =	simm.s32 $_size__tile_overlayer_lowered;
	s6 =	simm.s32 $_tile_overlayer_lowered  }
0x9b: {  	s22 =	simm.s32 $0x1BFF;
	s21 =	sshll.u32 s6, $0x1;
	s3 =	sadd.s32 s4, s19  }
0x9c: {  	s7 =	simm.s32 $0x0;
	s20 =	sshll.u32 s5, $0x1;
	s5 =	sadd.s32 s21, s3  }
0x9d: {  	[timem:s7], [sflag:s22] =	dma.local [hbm:s5], s20  }
0x9e: {  	_ =	swait.ge [sflag:s22], s20  }
0x9f: {  	s4 =	ssub.s32 $0x0, s20;
	[sflag:s22] =	ssyncset.done $0x0  }
0xa0: {  	[sflag:s22] =	ssyncadd.s32 s4;
	_ =	sdelay $0x1  }
0xa1: {  	s23 =	simm.s32 $0x1B8B  }
0xa2: {  	_ =	swait.ge [sflag:s23], $0x1  }
0xa3: {  	[sflag:s23] =	ssyncset.done $0x0  }
0xa4: {  	s25 =	simm.s32 $0x1B8E;
	s24 =	sld [smem:$0x3FFE];
	[sflag:s23] =	ssyncadd.s32 $0xFFFFFFFF  }
0xa5: {  	s26 =	simm.s32 $execute0_lowered;
	[smem:$0x3FD2] =	sst s25  }
0xa6: {  	s5 =	sshll.u32 s26, $0x1;
	_ =	strace $0x80000046;
	[dreg:$0x1] =	wrdreg $0xFFFFFFFF  }
0xa7: {  	s28 =	simm.s32 $_size_execute0_lowered;
	s3 =	sadd.s32 s3, s5;
	[dreg:$0x0] =	wrdreg $0x0  }
0xa8: {  	s5 =	sshll.u32 s28, $0x1;
	[dreg:$0x2] =	wrdreg s3  }
0xa9: {  	[dreg:$0x3] =	wrdreg s5  }
0xaa: {  	[dreg:$0x4] =	wrdreg $0xC0  }
0xab: {  	_ =	task [dreg:s7], $0x5FFFF  }
0xac: {  	[dreg:$0x1] =	wrdreg $0xFFFFFFFF  }
0xad: {  	[dreg:$0x0] =	wrdreg $0x60  }
0xae: {  	[dreg:$0x2] =	wrdreg s2  }
0xaf: {  	[dreg:$0x3] =	wrdreg s24  }
0xb0: {  	[dreg:$0x4] =	wrdreg $0x9  }
0xb1: {  	_ =	task.clear_ibuf [dreg:s7], $0x5FFFF;
	_ =	strace $0x90000046  }
0xb2: {  	s29 =	simm.s32 $0x9;
	_ =	strace $0x80000048  }
0xb3: {  	_ =	swait.ge [sflag:s29], $0x1  }
0xb4: {  	[sflag:s29] =	ssyncadd.s32 $0xFFFFFFFF  }
0xb5: {  	_ =	strace $0x90000048  }
0xb6: {  	_ =	sfence  }
0xb7: {  	s30 =	sld [smem:$0x0];
	_ =	sdelay $0x2  }
0xb8: {  	s31 =	sshll.u32 s1, $0xD;
	s1 =	sshrl.u32 s1, $0x2  }
0xb9: {  	s3 =	sand.u32 $0x4000, s31;
	s1 =	sadd.s32 s1, s30  }
0xba: {  	s0 =	sor.u32 s3, s0;
	s1 =	sshll.u32 s1, $0x11  }
0xbb: {  	s0 =	sor.u32 s1, s0  }
0xbc: {  	s0 =	sadd.s32 $0x8F2B, s0  }
0xbd: {  	[sflag:s0] =	ssyncadd.remote.s32 $0x1  }
0xbe: {  	_ =	sfence.sel $0xFFFF  }
0xbf: {  	[dreg:$0x0] =	wrdreg $0xFFFFFFFF;
	(pc) =	sbr.abs _section_cstart, $3  }
0xc0: {  	[dreg:$0x1] =	wrdreg $0xFFFFFFFF  }
0xc1: {  	_ =	task.clear_ibuf [dreg:s7], $0x2FFFF;
	_ =	strace $0x9FFFFFFF  }
0xc2: {  	(tm) =	ssettm $0x7FFFFFFF  }
0xc3: {  	_ =	shalt  }
tec
execute0_lowered:
.L_overlay_start_1:
0x0: {  	(tag) =	ssettag $0x1  }
0x1: {  	s3 =	rddreg [dreg:$0x0]  }
0x2: {  	s5 =	rddreg [dreg:$0x1];
	s2 =	simm.s32 $0x0  }
0x3: {  	s0 =	stileid.u32;
	s25 =	simm.s32 $0x880;
	[smem:$0x7FF] =	sst s2  }
0x4: {  	s26 =	simm.s32 $0x1080;
	_ =	strace $0x80000047;
	[dreg:$0x5] =	wrdreg s25  }
0x5: {  	s4 =	sshll.u32 s0, $0x5;
	s0 =	simm.s32 $0x1880;
	[dreg:$0x6] =	wrdreg s26  }
0x6: {  	s7 =	simm.s32 $0x3080;
	[dreg:$0x7] =	wrdreg s0  }
0x7: {  	s8 =	simm.s32 $0x3880;
	[dreg:$0xa] =	wrdreg s7  }
0x8: {  	s9 =	simm.s32 $0x4080;
	[dreg:$0xb] =	wrdreg s8  }
0x9: {  	s10 =	simm.s32 $0x4880;
	[dreg:$0xc] =	wrdreg s9  }
0xa: {  	s11 =	simm.s32 $0x5080;
	[dreg:$0xd] =	wrdreg s10  }
0xb: {  	s12 =	simm.s32 $0x5880;
	[dreg:$0xe] =	wrdreg s11  }
0xc: {  	s13 =	simm.s32 $0x6080;
	[dreg:$0xf] =	wrdreg s12  }
0xd: {  	s14 =	simm.s32 $0x6880;
	[dreg:$0x10] =	wrdreg s13  }
0xe: {  	s15 =	simm.s32 $0x7080;
	[dreg:$0x11] =	wrdreg s14  }
0xf: {  	s16 =	simm.s32 $0x7880;
	[dreg:$0x12] =	wrdreg s15  }
0x10: {  	s1 =	srdreg.scid;
	s17 =	simm.s32 $0x8080;
	[dreg:$0x13] =	wrdreg s16  }
0x11: {  	s18 =	simm.s32 $0x8880;
	s19 =	simm.s32 $0x9080;
	[dreg:$0x14] =	wrdreg s17  }
0x12: {  	s21 =	simm.s32 $0x9880;
	s22 =	simm.s32 $0xA080;
	[dreg:$0x15] =	wrdreg s18  }
0x13: {  	s23 =	simm.s32 $0xA880;
	s24 =	simm.s32 $0xB880;
	[dreg:$0x16] =	wrdreg s19  }
0x14: {  	s28 =	simm.s32 $0x16080;
	s29 =	simm.s32 $0x16880;
	[dreg:$0x17] =	wrdreg s21  }
0x15: {  	s30 =	simm.s32 $0x17080;
	s1 =	sand.u32 $0x1, s1;
	[dreg:$0x18] =	wrdreg s22  }
0x16: {  	s31 =	simm.s32 $0x17880;
	s6 =	sshll.u32 s1, $0x4;
	[dreg:$0x19] =	wrdreg s23  }
0x17: {  	s1 =	ssub.s32 $0x2, s1;
	s7 =	simm.s32 $0xB080;
	[dreg:$0x1b] =	wrdreg s24  }
0x18: {  	s25 =	simm.s32 $0xC080;
	s8 =	simm.s32 $0x80;
	s26 =	simm.s32 $0xC880  }
0x19: {  	s10 =	simm.s32 $0xD880;
	s11 =	simm.s32 $0xE080;
	s12 =	simm.s32 $0xE880  }
0x1a: {  	s13 =	simm.s32 $0xF080;
	s14 =	simm.s32 $0xF880;
	s15 =	simm.s32 $0x10080  }
0x1b: {  	s16 =	simm.s32 $0x10880;
	s17 =	simm.s32 $0x11080;
	s18 =	simm.s32 $0x11880  }
0x1c: {  	s19 =	simm.s32 $0x12080;
	s21 =	simm.s32 $0x13080;
	s22 =	simm.s32 $0x13880  }
0x1d: {  	s23 =	simm.s32 $0x14080;
	s24 =	simm.s32 $0x14880;
	s4 =	sor.u32 s6, s4  }
0x1e: {  	s20 =	sshrl.u32 s1, $0x1;
	[dreg:$0x1a] =	wrdreg s7;
	s7 =	simm.s32 $0x2  }
0x1f: {  	[dreg:$0x1c] =	wrdreg s25;
	s6 =	sadd.s32 s4, s5;
	s4 =	smul.u32 $0x300, s4  }
0x20: {  	[dreg:$0x1d] =	wrdreg s26;
	s25 =	simm.s32 $0x15080;
	s6 =	sadd.s32 $0x2200, s6  }
0x21: {  	s26 =	simm.s32 $0x15880;
	[dreg:$0x3] =	wrdreg s6;
	s3 =	sadd.s32 s3, s4  }
0x22: {  	s1 =	ssub.s32 s1, s20;
	s4 =	simm.s32 $0x2080;
	[dreg:$0x4] =	wrdreg s3  }
0x23: {  	v2 =	vlaneseq.u32;
	s20 =	simm.s32 $0x12880;
	s6 =	simm.s32 $0x2880;
	[dreg:$0x8] =	wrdreg s4  }
0x24: {  	vm0 =	vmmov $0xffff;
	v1 =	vshrl.u32 v2, $0x3;
	[dreg:$0x9] =	wrdreg s6;
	s3 =	sadd.s32 $0x2400, s5;
	s4 =	sadd.s32 $0x2500, s5  }
0x25: {  	v0 =	vand.u32 $0x7, v2;
	v2 =	vor.u32 $0x8, v2;
	v1 =	vmul.u32 $0x8, v1;
	s5 =	sadd.s32 $0x2600, s5;
	s6 =	smax.u32 s1, $0x1;
	s1 =	simm.s32 $0x1  }
.LBB2_1:
0x26: {  	s0 =	rddreg [dreg:$0x3]  }
0x27: {  	[tilespmem:s2], [sflag:$0x2] =	stream.linear.gather [hbm4b:s0+s2], $0x80, $0x38;
	[tilespmem:$0x18080] =	vst v63  }
0x28: {  	_ =	swait.ge [sflag:s7], $0x80  }
0x29: {  	[sflag:s7] =	ssyncset.done $0x0  }
0x2a: {  	s9 =	rddreg [dreg:$0x4];
	[sflag:s7] =	ssyncadd.s32 $0xFFFFFF80  }
0x2b: {  	[tilespmem:s8], [sflag:$0x2] =	stream.linear.gather [hbm4b:s9+s2], $0x18000, $0x38;
	[tilespmem:$0x18080] =	vst v63  }
0x2c: {  	_ =	swait.ge [sflag:s7], $0x18000  }
0x2d: {  	[sflag:s7] =	ssyncset.done $0x0  }
0x2e: {  	[sflag:s7] =	ssyncadd.s32 $0xFFFE8000  }
0x2f: {  	v3 =	vld [tilespmem:$0x0];
	_ =	sdelay $0x4  }
0x30: {  	v4 =	vshrl.u32 v3, $0x3  }
0x31: {  	v4 =	vmul.u32 $0x30, v4  }
0x32: {  	v3 =	vand.u32 $0x7, v3  }
0x33: {  	v3 =	vor.u32 v3, v4  }
0x34: {  	v4 =	vperm.xlane v3, v0;
	_ =	sdelay $0x1  }
0x35: {  	v4 =	vadd.s32 v1, v4;
	_ =	sdelay $0x3  }
0x36: {  	v3 =	vperm.xlane v3, v2  }
0x37: {  	[hbm4b:s3+s2] =	stream.indirect_vreg.scatter [tilespmem:s8], [sflag:$0x1], $0x80, v4, vm0, $0xb8;
	[tilespmem:$0x18080] =	vst v63  }
0x38: {  	s0 =	rddreg [dreg:$0x5];
	v3 =	vadd.s32 v1, v3  }
0x39: {  	[hbm4b:s4+s2] =	stream.indirect_vreg.scatter [tilespmem:s0], [sflag:$0x1], $0x80, v4, vm0, $0xb8;
	[tilespmem:$0x18080] =	vst v63  }
0x3a: {  	s9 =	rddreg [dreg:$0x6]  }
0x3b: {  	[hbm4b:s5+s2] =	stream.indirect_vreg.scatter [tilespmem:s9], [sflag:$0x1], $0x80, v4, vm0, $0xb8;
	[tilespmem:$0x18080] =	vst v63  }
0x3c: {  	s0 =	rddreg [dreg:$0x7]  }
0x3d: {  	[hbm4b:s3+s2] =	stream.indirect_vreg.scatter [tilespmem:s0], [sflag:$0x1], $0x80, v3, vm0, $0xb8;
	[tilespmem:$0x18080] =	vst v63  }
0x3e: {  	s9 =	rddreg [dreg:$0x8]  }
0x3f: {  	[hbm4b:s4+s2] =	stream.indirect_vreg.scatter [tilespmem:s9], [sflag:$0x1], $0x80, v3, vm0, $0xb8;
	[tilespmem:$0x18080] =	vst v63  }
0x40: {  	s0 =	rddreg [dreg:$0x9]  }
0x41: {  	[hbm4b:s5+s2] =	stream.indirect_vreg.scatter [tilespmem:s0], [sflag:$0x1], $0x80, v3, vm0, $0xb8;
	[tilespmem:$0x18080] =	vst v63  }
0x42: {  	v3 =	vld [tilespmem:$0x10];
	_ =	sdelay $0x4  }
0x43: {  	v57 =	vshrl.u32 v3, $0x3  }
0x44: {  	v4 =	vmul.u32 $0x30, v57  }
0x45: {  	v3 =	vand.u32 $0x7, v3  }
0x46: {  	v3 =	vor.u32 v3, v4  }
0x47: {  	v4 =	vperm.xlane v3, v0;
	_ =	sdelay $0x1  }
0x48: {  	v4 =	vadd.s32 v1, v4;
	_ =	sdelay $0x3  }
0x49: {  	s0 =	rddreg [dreg:$0xa];
	v3 =	vperm.xlane v3, v2  }
0x4a: {  	[hbm4b:s3+s2] =	stream.indirect_vreg.scatter [tilespmem:s0], [sflag:$0x1], $0x80, v4, vm0, $0xb8;
	[tilespmem:$0x18080] =	vst v63  }
0x4b: {  	s9 =	rddreg [dreg:$0xb];
	v3 =	vadd.s32 v1, v3  }
0x4c: {  	[hbm4b:s4+s2] =	stream.indirect_vreg.scatter [tilespmem:s9], [sflag:$0x1], $0x80, v4, vm0, $0xb8;
	[tilespmem:$0x18080] =	vst v63  }
0x4d: {  	s0 =	rddreg [dreg:$0xc]  }
0x4e: {  	[hbm4b:s5+s2] =	stream.indirect_vreg.scatter [tilespmem:s0], [sflag:$0x1], $0x80, v4, vm0, $0xb8;
	[tilespmem:$0x18080] =	vst v63  }
0x4f: {  	s9 =	rddreg [dreg:$0xd]  }
0x50: {  	[hbm4b:s3+s2] =	stream.indirect_vreg.scatter [tilespmem:s9], [sflag:$0x1], $0x80, v3, vm0, $0xb8;
	[tilespmem:$0x18080] =	vst v63  }
0x51: {  	s0 =	rddreg [dreg:$0xe]  }
0x52: {  	[hbm4b:s4+s2] =	stream.indirect_vreg.scatter [tilespmem:s0], [sflag:$0x1], $0x80, v3, vm0, $0xb8;
	[tilespmem:$0x18080] =	vst v63  }
0x53: {  	s9 =	rddreg [dreg:$0xf]  }
0x54: {  	[hbm4b:s5+s2] =	stream.indirect_vreg.scatter [tilespmem:s9], [sflag:$0x1], $0x80, v3, vm0, $0xb8;
	[tilespmem:$0x18080] =	vst v63  }
0x55: {  	v3 =	vld [tilespmem:$0x20];
	_ =	sdelay $0x4  }
0x56: {  	v58 =	vshrl.u32 v3, $0x3  }
0x57: {  	v4 =	vmul.u32 $0x30, v58  }
0x58: {  	v3 =	vand.u32 $0x7, v3  }
0x59: {  	v3 =	vor.u32 v3, v4  }
0x5a: {  	v4 =	vperm.xlane v3, v0;
	_ =	sdelay $0x1  }
0x5b: {  	v4 =	vadd.s32 v1, v4;
	_ =	sdelay $0x3  }
0x5c: {  	s0 =	rddreg [dreg:$0x10];
	v3 =	vperm.xlane v3, v2  }
0x5d: {  	[hbm4b:s3+s2] =	stream.indirect_vreg.scatter [tilespmem:s0], [sflag:$0x1], $0x80, v4, vm0, $0xb8;
	[tilespmem:$0x18080] =	vst v63  }
0x5e: {  	s9 =	rddreg [dreg:$0x11];
	v3 =	vadd.s32 v1, v3  }
0x5f: {  	[hbm4b:s4+s2] =	stream.indirect_vreg.scatter [tilespmem:s9], [sflag:$0x1], $0x80, v4, vm0, $0xb8;
	[tilespmem:$0x18080] =	vst v63  }
0x60: {  	s0 =	rddreg [dreg:$0x12]  }
0x61: {  	[hbm4b:s5+s2] =	stream.indirect_vreg.scatter [tilespmem:s0], [sflag:$0x1], $0x80, v4, vm0, $0xb8;
	[tilespmem:$0x18080] =	vst v63  }
0x62: {  	s9 =	rddreg [dreg:$0x13]  }
0x63: {  	[hbm4b:s3+s2] =	stream.indirect_vreg.scatter [tilespmem:s9], [sflag:$0x1], $0x80, v3, vm0, $0xb8;
	[tilespmem:$0x18080] =	vst v63  }
0x64: {  	s0 =	rddreg [dreg:$0x14]  }
0x65: {  	[hbm4b:s4+s2] =	stream.indirect_vreg.scatter [tilespmem:s0], [sflag:$0x1], $0x80, v3, vm0, $0xb8;
	[tilespmem:$0x18080] =	vst v63  }
0x66: {  	s9 =	rddreg [dreg:$0x15]  }
0x67: {  	[hbm4b:s5+s2] =	stream.indirect_vreg.scatter [tilespmem:s9], [sflag:$0x1], $0x80, v3, vm0, $0xb8;
	[tilespmem:$0x18080] =	vst v63  }
0x68: {  	v3 =	vld [tilespmem:$0x30];
	_ =	sdelay $0x4  }
0x69: {  	v59 =	vshrl.u32 v3, $0x3  }
0x6a: {  	v4 =	vmul.u32 $0x30, v59  }
0x6b: {  	v3 =	vand.u32 $0x7, v3  }
0x6c: {  	v3 =	vor.u32 v3, v4  }
0x6d: {  	v4 =	vperm.xlane v3, v0;
	_ =	sdelay $0x1  }
0x6e: {  	v4 =	vadd.s32 v1, v4;
	_ =	sdelay $0x3  }
0x6f: {  	s0 =	rddreg [dreg:$0x16];
	v3 =	vperm.xlane v3, v2  }
0x70: {  	[hbm4b:s3+s2] =	stream.indirect_vreg.scatter [tilespmem:s0], [sflag:$0x1], $0x80, v4, vm0, $0xb8;
	[tilespmem:$0x18080] =	vst v63  }
0x71: {  	s9 =	rddreg [dreg:$0x17];
	v3 =	vadd.s32 v1, v3  }
0x72: {  	[hbm4b:s4+s2] =	stream.indirect_vreg.scatter [tilespmem:s9], [sflag:$0x1], $0x80, v4, vm0, $0xb8;
	[tilespmem:$0x18080] =	vst v63  }
0x73: {  	s0 =	rddreg [dreg:$0x18]  }
0x74: {  	[hbm4b:s5+s2] =	stream.indirect_vreg.scatter [tilespmem:s0], [sflag:$0x1], $0x80, v4, vm0, $0xb8;
	[tilespmem:$0x18080] =	vst v63  }
0x75: {  	s9 =	rddreg [dreg:$0x19]  }
0x76: {  	[hbm4b:s3+s2] =	stream.indirect_vreg.scatter [tilespmem:s9], [sflag:$0x1], $0x80, v3, vm0, $0xb8;
	[tilespmem:$0x18080] =	vst v63  }
0x77: {  	s0 =	rddreg [dreg:$0x1a]  }
0x78: {  	[hbm4b:s4+s2] =	stream.indirect_vreg.scatter [tilespmem:s0], [sflag:$0x1], $0x80, v3, vm0, $0xb8;
	[tilespmem:$0x18080] =	vst v63  }
0x79: {  	s9 =	rddreg [dreg:$0x1b]  }
0x7a: {  	[hbm4b:s5+s2] =	stream.indirect_vreg.scatter [tilespmem:s9], [sflag:$0x1], $0x80, v3, vm0, $0xb8;
	[tilespmem:$0x18080] =	vst v63  }
0x7b: {  	v3 =	vld [tilespmem:$0x40];
	_ =	sdelay $0x4  }
0x7c: {  	v60 =	vshrl.u32 v3, $0x3  }
0x7d: {  	v4 =	vmul.u32 $0x30, v60  }
0x7e: {  	v3 =	vand.u32 $0x7, v3  }
0x7f: {  	v3 =	vor.u32 v3, v4  }
0x80: {  	v4 =	vperm.xlane v3, v0;
	_ =	sdelay $0x1  }
0x81: {  	v4 =	vadd.s32 v1, v4;
	_ =	sdelay $0x3  }
0x82: {  	s0 =	rddreg [dreg:$0x1c];
	v3 =	vperm.xlane v3, v2  }
0x83: {  	[hbm4b:s3+s2] =	stream.indirect_vreg.scatter [tilespmem:s0], [sflag:$0x1], $0x80, v4, vm0, $0xb8;
	[tilespmem:$0x18080] =	vst v63  }
0x84: {  	s9 =	rddreg [dreg:$0x1d];
	v3 =	vadd.s32 v1, v3  }
0x85: {  	[hbm4b:s4+s2] =	stream.indirect_vreg.scatter [tilespmem:s9], [sflag:$0x1], $0x80, v4, vm0, $0xb8;
	[tilespmem:$0x18080] =	vst v63  }
0x86: {  	s9 =	simm.s32 $0xD080  }
0x87: {  	[hbm4b:s5+s2] =	stream.indirect_vreg.scatter [tilespmem:s9], [sflag:$0x1], $0x80, v4, vm0, $0xb8;
	[tilespmem:$0x18080] =	vst v63  }
0x88: {  	_ = 	snop  }
0x89: {  	[hbm4b:s3+s2] =	stream.indirect_vreg.scatter [tilespmem:s10], [sflag:$0x1], $0x80, v3, vm0, $0xb8;
	[tilespmem:$0x18080] =	vst v63  }
0x8a: {  	_ = 	snop  }
0x8b: {  	[hbm4b:s4+s2] =	stream.indirect_vreg.scatter [tilespmem:s11], [sflag:$0x1], $0x80, v3, vm0, $0xb8;
	[tilespmem:$0x18080] =	vst v63  }
0x8c: {  	_ = 	snop  }
0x8d: {  	[hbm4b:s5+s2] =	stream.indirect_vreg.scatter [tilespmem:s12], [sflag:$0x1], $0x80, v3, vm0, $0xb8;
	[tilespmem:$0x18080] =	vst v63  }
0x8e: {  	v3 =	vld [tilespmem:$0x50];
	_ =	sdelay $0x4  }
0x8f: {  	v61 =	vshrl.u32 v3, $0x3  }
0x90: {  	v4 =	vmul.u32 $0x30, v61  }
0x91: {  	v3 =	vand.u32 $0x7, v3  }
0x92: {  	v3 =	vor.u32 v3, v4  }
0x93: {  	v4 =	vperm.xlane v3, v0;
	_ =	sdelay $0x1  }
0x94: {  	v4 =	vadd.s32 v1, v4;
	_ =	sdelay $0x3  }
0x95: {  	v3 =	vperm.xlane v3, v2  }
0x96: {  	[hbm4b:s3+s2] =	stream.indirect_vreg.scatter [tilespmem:s13], [sflag:$0x1], $0x80, v4, vm0, $0xb8;
	[tilespmem:$0x18080] =	vst v63  }
0x97: {  	v3 =	vadd.s32 v1, v3  }
0x98: {  	[hbm4b:s4+s2] =	stream.indirect_vreg.scatter [tilespmem:s14], [sflag:$0x1], $0x80, v4, vm0, $0xb8;
	[tilespmem:$0x18080] =	vst v63  }
0x99: {  	_ = 	snop  }
0x9a: {  	[hbm4b:s5+s2] =	stream.indirect_vreg.scatter [tilespmem:s15], [sflag:$0x1], $0x80, v4, vm0, $0xb8;
	[tilespmem:$0x18080] =	vst v63  }
0x9b: {  	_ = 	snop  }
0x9c: {  	[hbm4b:s3+s2] =	stream.indirect_vreg.scatter [tilespmem:s16], [sflag:$0x1], $0x80, v3, vm0, $0xb8;
	[tilespmem:$0x18080] =	vst v63  }
0x9d: {  	_ = 	snop  }
0x9e: {  	[hbm4b:s4+s2] =	stream.indirect_vreg.scatter [tilespmem:s17], [sflag:$0x1], $0x80, v3, vm0, $0xb8;
	[tilespmem:$0x18080] =	vst v63  }
0x9f: {  	_ = 	snop  }
0xa0: {  	[hbm4b:s5+s2] =	stream.indirect_vreg.scatter [tilespmem:s18], [sflag:$0x1], $0x80, v3, vm0, $0xb8;
	[tilespmem:$0x18080] =	vst v63  }
0xa1: {  	v3 =	vld [tilespmem:$0x60];
	_ =	sdelay $0x4  }
0xa2: {  	v62 =	vshrl.u32 v3, $0x3  }
0xa3: {  	v4 =	vmul.u32 $0x30, v62  }
0xa4: {  	v3 =	vand.u32 $0x7, v3  }
0xa5: {  	v3 =	vor.u32 v3, v4  }
0xa6: {  	v4 =	vperm.xlane v3, v0;
	_ =	sdelay $0x1  }
0xa7: {  	v4 =	vadd.s32 v1, v4;
	_ =	sdelay $0x3  }
0xa8: {  	v3 =	vperm.xlane v3, v2  }
0xa9: {  	[hbm4b:s3+s2] =	stream.indirect_vreg.scatter [tilespmem:s19], [sflag:$0x1], $0x80, v4, vm0, $0xb8;
	[tilespmem:$0x18080] =	vst v63  }
0xaa: {  	v3 =	vadd.s32 v1, v3  }
0xab: {  	[hbm4b:s4+s2] =	stream.indirect_vreg.scatter [tilespmem:s20], [sflag:$0x1], $0x80, v4, vm0, $0xb8;
	[tilespmem:$0x18080] =	vst v63  }
0xac: {  	_ = 	snop  }
0xad: {  	[hbm4b:s5+s2] =	stream.indirect_vreg.scatter [tilespmem:s21], [sflag:$0x1], $0x80, v4, vm0, $0xb8;
	[tilespmem:$0x18080] =	vst v63  }
0xae: {  	_ = 	snop  }
0xaf: {  	[hbm4b:s3+s2] =	stream.indirect_vreg.scatter [tilespmem:s22], [sflag:$0x1], $0x80, v3, vm0, $0xb8;
	[tilespmem:$0x18080] =	vst v63  }
0xb0: {  	_ = 	snop  }
0xb1: {  	[hbm4b:s4+s2] =	stream.indirect_vreg.scatter [tilespmem:s23], [sflag:$0x1], $0x80, v3, vm0, $0xb8;
	[tilespmem:$0x18080] =	vst v63  }
0xb2: {  	_ = 	snop  }
0xb3: {  	[hbm4b:s5+s2] =	stream.indirect_vreg.scatter [tilespmem:s24], [sflag:$0x1], $0x80, v3, vm0, $0xb8;
	[tilespmem:$0x18080] =	vst v63  }
0xb4: {  	v3 =	vld [tilespmem:$0x70];
	_ =	sdelay $0x4  }
0xb5: {  	v63 =	vshrl.u32 v3, $0x3  }
0xb6: {  	v4 =	vmul.u32 $0x30, v63  }
0xb7: {  	v3 =	vand.u32 $0x7, v3  }
0xb8: {  	v3 =	vor.u32 v3, v4  }
0xb9: {  	v4 =	vperm.xlane v3, v0;
	_ =	sdelay $0x1  }
0xba: {  	v4 =	vadd.s32 v1, v4;
	_ =	sdelay $0x3  }
0xbb: {  	v3 =	vperm.xlane v3, v2  }
0xbc: {  	[hbm4b:s3+s2] =	stream.indirect_vreg.scatter [tilespmem:s25], [sflag:$0x1], $0x80, v4, vm0, $0xb8;
	[tilespmem:$0x18080] =	vst v63  }
0xbd: {  	v3 =	vadd.s32 v1, v3  }
0xbe: {  	[hbm4b:s4+s2] =	stream.indirect_vreg.scatter [tilespmem:s26], [sflag:$0x1], $0x80, v4, vm0, $0xb8;
	[tilespmem:$0x18080] =	vst v63  }
0xbf: {  	_ = 	snop  }
0xc0: {  	[hbm4b:s5+s2] =	stream.indirect_vreg.scatter [tilespmem:s28], [sflag:$0x1], $0x80, v4, vm0, $0xb8;
	[tilespmem:$0x18080] =	vst v63  }
0xc1: {  	_ = 	snop  }
0xc2: {  	[hbm4b:s3+s2] =	stream.indirect_vreg.scatter [tilespmem:s29], [sflag:$0x1], $0x80, v3, vm0, $0xb8;
	[tilespmem:$0x18080] =	vst v63  }
0xc3: {  	p0 =	sne.s32 s6, $0x1  }
0xc4: {  	[hbm4b:s4+s2] =	stream.indirect_vreg.scatter [tilespmem:s30], [sflag:$0x1], $0x80, v3, vm0, $0xb8;
	[tilespmem:$0x18080] =	vst v63  }
.Ltmp0:
0xc5: {  	_ = 	snop;
	(pc) =	sbr.rel @p0 .LBB2_1-.Ltmp0, $4  }
0xc6: {  	[hbm4b:s5+s2] =	stream.indirect_vreg.scatter [tilespmem:s31], [sflag:$0x1], $0x80, v3, vm0, $0xb8;
	[tilespmem:$0x18080] =	vst v63  }
0xc7: {  	_ =	swait.ge [sflag:s1], $0x18000  }
0xc8: {  	[sflag:s1] =	ssyncset.done $0x0  }
0xc9: {  	s6 =	sadd.s32 $0xFFFFFFFF, s6;
	[sflag:s1] =	ssyncadd.s32 $0xFFFE8000  }
0xca: {  	_ =	sfence.sel $0x180000  }
0xcb: {  	[bflag:$0x0] =	sbarrier.arrive $0xFFFF  }
0xcc: {  	_ =	strace $0x90000047  }
0xcd: {  	s0 =	stileid.u32;
	[bflag:$0x2] =	sbarrier.arrive $0xFFFF  }
0xce: {  	p0 =	sne.s32 s0, $0x0;
	s0 =	rddreg [dreg:$0x2]  }
0xcf: {  	s0 =	sadd.s32 @!p0 $0x100000, s0  }
0xd0: {  	[sflag:s0] =	ssyncadd.tile.s32 @!p0 $0x1;
	_ =	shalt  }
.Lfunc_end2:
_tile_overlayer_lowered:
.L_overlay_start_2:
0xd1: {  	(tag) =	ssettag $0x2  }
0xd2: {  	s0 =	rddreg [dreg:$0x0];
	s2 =	stileid.u32  }
0xd3: {  	s1 =	rddreg [dreg:$0x1];
	p0 =	sne.s32 s2, $0x0  }
0xd4: {  	s3 =	rddreg [dreg:$0x2];
	[bflag:$0x3] =	sbarrier.arrive $0xFFFF;
	s2 =	simm.s32 @!p0 $0x1C02  }
0xd5: {  	[timem:s3], [sflag:s2] =	dma.local @!p0 [hbm:s0], s1  }
0xd6: {  	s0 =	simm.s32 @!p0 $0x2  }
0xd7: {  	_ =	swait.ge @!p0 [sflag:s0], s1  }
0xd8: {  	s1 =	ssub.s32 @!p0 $0x0, s1;
	[sflag:s0] =	ssyncset.done @!p0 $0x0  }
0xd9: {  	[sflag:s0] =	ssyncadd.s32 @!p0 s1  }
0xda: {  	[bflag:$0x3] =	sbarrier.arrive $0xFFFF  }
0xdb: {  	_ =	shalt  }

// kernel: kernel.9.cloned.1.call-start
scs
__scs_entry_jumppad:
0x0: {  	(pc) =	sbr.rel $0x88, $3  }
0x1: {  	(tag) =	ssettag $0x0;
	lr =	simm.s32 $0x1  }
0x2: {  	[smem:$0x3F9A] =	sst lr;
	_ =	strace $0xD0000000  }
0x3: {  	_ = 	snop  }
0x4: {  	_ = 	snop  }
0x5: {  	_ = 	snop  }
0x6: {  	_ = 	snop  }
0x7: {  	_ = 	snop  }
__scs_overlays_trampoline_lowered:
0x8: {  	[smem:$0x3FA9] =	sst s0  }
0x9: {  	[smem:$0x3FAA] =	sst s1  }
0xa: {  	[smem:$0x3FAB] =	sst s2  }
0xb: {  	[smem:$0x3FAC] =	sst s3  }
0xc: {  	[smem:$0x3FAD] =	sst s4  }
0xd: {  	[smem:$0x3FAE] =	sst s5  }
0xe: {  	[smem:$0x3FAF] =	sst s6  }
0xf: {  	[smem:$0x3FB0] =	sst s7  }
0x10: {  	[smem:$0x3FB1] =	sst s8  }
0x11: {  	[smem:$0x3FB2] =	sst s9;
	s0 =	simm.s32 @!p0 $0x0  }
0x12: {  	s1 =	sld [smem:$0x3F98];
	s0 =	simm.s32 @p0 $0x1  }
0x13: {  	[smem:$0x3FB3] =	sst s0;
	s0 =	simm.s32 @!p1 $0x0  }
0x14: {  	s2 =	sld [smem:$0x3F97];
	s0 =	simm.s32 @p1 $0x1  }
0x15: {  	[smem:$0x3FB4] =	sst s0;
	s0 =	simm.s32 @!p2 $0x0  }
0x16: {  	s3 =	sld [smem:$0x3FDB];
	s0 =	simm.s32 @p2 $0x1  }
0x17: {  	s4 =	simm.s32 $0x1BF5;
	[smem:$0x3FB6] =	sst s0  }
0x18: {  	s0 =	sld [smem:$0x3F99];
	_ =	swait.ge [sflag:s4], $0x0  }
0x19: {  	s7 =	sld [smem:$0x3F9A]  }
0x1a: {  	s8 =	sadd.s32 $0xFFFFE003, lr  }
0x1b: {  	s9 =	sadd.s32 $0xFFFFFEF7, lr;
	s5 =	simm.s32 $0xFFFFFFFF;
	p2 =	slt.u32 s8, $0xFFFFF086  }
0x1c: {  	p1 =	slt.u32 s9, $0xF7A;
	s5 =	simm.s32 @!p2 $0x0  }
0x1d: {  	s5 =	simm.s32 @p1 $0x1;
	p0 =	seq.s32 s7, s2  }
0x1e: {  	s7 =	smul.u32 @!p0 $0xF7A, s2;
	p2 =	seq.s32 @!p0 s5, $0x0  }
0x1f: {  	s9 =	smul.u32 $0xF7A, s1;
	s8 =	simm.s32 @!p0 $0x1BF5;
	p2 =	por !p2, p0  }
0x20: {  	[sflag:s8] =	ssyncset.s32 @!p0 $0xFFFFF086;
	s6 =	sadd.s32 @!p0 s3, s7;
	s7 =	simm.s32 @!p0 $0x108  }
0x21: {  	s3 =	sadd.s32 s3, s9;
	s6 =	sadd.s32 @!p0 $0x88, s6;
	s7 =	simm.s32 @p2 $0x1082  }
0x22: {  	[simem:s7], [sflag:s8] =	dma.local @!p0 [hbm:s6], $0xF7A  }
0x23: {  	s9 =	sor.u32 $0xD0000000, s2;
	s6 =	simm.s32 $0x108;
	_ =	swait.ge @!p0 [sflag:s8], $0x0  }
0x24: {  	s3 =	sadd.s32 $0x88, s3;
	s6 =	simm.s32 @!p1 $0x1082;
	[sflag:s4] =	ssyncset.s32 $0xFFFFF086  }
0x25: {  	[simem:s6], [sflag:s4] =	dma.local [hbm:s3], $0xF7A  }
0x26: {  	[smem:$0x3F9A] =	sst s1;
	(tag) =	ssettag s2;
	_ =	strace s9  }
0x27: {  	s1 =	sld [smem:$0x3FAA]  }
0x28: {  	s2 =	sld [smem:$0x3FAB]  }
0x29: {  	s4 =	sld [smem:$0x3FAD]  }
0x2a: {  	p0 =	seq.s32 s5, $0x0;
	s5 =	sld [smem:$0x3FAE]  }
0x2b: {  	s6 =	sld [smem:$0x3FAF]  }
0x2c: {  	s7 =	sld [smem:$0x3FB0]  }
0x2d: {  	s3 =	simm.s32 $0x108;
	s8 =	sld [smem:$0x3FB1]  }
0x2e: {  	s3 =	simm.s32 @!p0 $0x1082;
	s9 =	sld [smem:$0x3FB2]  }
0x2f: {  	lr =	sadd.s32 s0, s3;
	s0 =	sld [smem:$0x3FA9]  }
0x30: {  	s3 =	sld [smem:$0x3FAC]  }
0x31: {  	[smem:$0x3FB5] =	sst s10  }
0x32: {  	s10 =	sld [smem:$0x3FB3];
	_ =	sdelay $0x3  }
0x33: {  	p0 =	seq.s32 s10, $0x1;
	s10 =	sld [smem:$0x3FB5];
	_ =	sdelay $0x3  }
0x34: {  	[smem:$0x3FB5] =	sst s10  }
0x35: {  	s10 =	sld [smem:$0x3FB4];
	_ =	sdelay $0x3  }
0x36: {  	p1 =	seq.s32 s10, $0x1;
	s10 =	sld [smem:$0x3FB5];
	_ =	sdelay $0x3  }
0x37: {  	[smem:$0x3FB5] =	sst s10  }
0x38: {  	s10 =	sld [smem:$0x3FB6]  }
0x39: {  	_ = 	snop;
	(pc) =	sbr.ind lr, $3  }
0x3a: {  	_ = 	snop  }
0x3b: {  	_ = 	snop  }
0x3c: {  	p2 =	seq.s32 s10, $0x1;
	s10 =	sld [smem:$0x3FB5]  }
0x3d: {  	_ =	shalt  }
0x3e: {  	_ =	shalt  }
0x3f: {  	_ =	shalt  }
0x40: {  	_ =	shalt  }
0x41: {  	_ =	shalt  }
0x42: {  	_ =	shalt  }
0x43: {  	_ =	shalt  }
0x44: {  	_ =	shalt  }
0x45: {  	_ =	shalt  }
0x46: {  	_ =	shalt  }
0x47: {  	_ =	shalt  }
0x48: {  	_ =	shalt  }
0x49: {  	_ =	shalt  }
0x4a: {  	_ =	shalt  }
0x4b: {  	_ =	shalt  }
0x4c: {  	_ =	shalt  }
0x4d: {  	_ =	shalt  }
0x4e: {  	_ =	shalt  }
0x4f: {  	_ =	shalt  }
0x50: {  	_ =	shalt  }
0x51: {  	_ =	shalt  }
0x52: {  	_ =	shalt  }
0x53: {  	_ =	shalt  }
0x54: {  	_ =	shalt  }
0x55: {  	_ =	shalt  }
0x56: {  	_ =	shalt  }
0x57: {  	_ =	shalt  }
0x58: {  	_ =	shalt  }
0x59: {  	_ =	shalt  }
0x5a: {  	_ =	shalt  }
0x5b: {  	_ =	shalt  }
0x5c: {  	_ =	shalt  }
0x5d: {  	_ =	shalt  }
0x5e: {  	_ =	shalt  }
0x5f: {  	_ =	shalt  }
0x60: {  	_ =	shalt  }
0x61: {  	_ =	shalt  }
0x62: {  	_ =	shalt  }
0x63: {  	_ =	shalt  }
0x64: {  	_ =	shalt  }
0x65: {  	_ =	shalt  }
0x66: {  	_ =	shalt  }
0x67: {  	_ =	shalt  }
0x68: {  	_ =	shalt  }
0x69: {  	_ =	shalt  }
0x6a: {  	_ =	shalt  }
0x6b: {  	_ =	shalt  }
0x6c: {  	_ =	shalt  }
0x6d: {  	_ =	shalt  }
0x6e: {  	_ =	shalt  }
0x6f: {  	_ =	shalt  }
0x70: {  	_ =	shalt  }
0x71: {  	_ =	shalt  }
0x72: {  	_ =	shalt  }
0x73: {  	_ =	shalt  }
0x74: {  	_ =	shalt  }
0x75: {  	_ =	shalt  }
0x76: {  	_ =	shalt  }
0x77: {  	_ =	shalt  }
0x78: {  	_ =	shalt  }
0x79: {  	_ =	shalt  }
0x7a: {  	_ =	shalt  }
0x7b: {  	_ =	shalt  }
0x7c: {  	_ =	shalt  }
0x7d: {  	_ =	shalt  }
0x7e: {  	_ =	shalt  }
0x7f: {  	_ =	shalt  }
0x80: {  	_ =	shalt  }
0x81: {  	_ =	shalt  }
0x82: {  	_ =	shalt  }
0x83: {  	_ =	shalt  }
0x84: {  	_ =	shalt  }
0x85: {  	_ =	shalt  }
0x86: {  	_ =	shalt  }
0x87: {  	_ =	shalt  }
.Lfunc_end0:
.L_simem_size_0:
called_computation.1_lowered:
.L_overlay_start_0:
0x88: {  	s2 =	sld [smem:$0x3FD9]  }
0x89: {  	s3 =	sld [smem:$0x3FFE];
	_ =	sdelay $0x1  }
0x8a: {  	s1 =	srdreg.scid  }
0x8b: {  	s0 =	sand.u32 $0x1, s1  }
0x8c: {  	s17 =	sshll.u32 s0, $0xA;
	s2 =	sadd.s32 s3, s2  }
0x8d: {  	s2 =	sadd.s32 s2, s17  }
0x8e: {  	[smem:$0x3FC1] =	sst s2  }
0x8f: {  	_ = 	snop  }
0x90: {  	s2 =	sld [smem:$0x3FD0];
	(tm) =	ssettm $0x1  }
0x91: {  	s18 =	sld [smem:$0x3FFB];
	_ =	sdelay $0x3  }
0x92: {  	_ =	strace s18  }
0x93: {  	s3 =	sld [smem:$0x3FFC];
	_ =	sdelay $0x3  }
0x94: {  	_ =	strace s3  }
0x95: {  	s3 =	sld [smem:$0x3FFD];
	_ =	sdelay $0x3  }
0x96: {  	_ =	strace s3  }
0x97: {  	_ =	strace $0x8FFFFFFF  }
0x98: {  	s19 =	sld [smem:$0x3FDB];
	_ =	sdelay $0x1  }
0x99: {  	s4 =	simm.s32 $_scs_section_size  }
0x9a: {  	s5 =	simm.s32 $_size__tile_overlayer_lowered;
	s6 =	simm.s32 $_tile_overlayer_lowered  }
0x9b: {  	s22 =	simm.s32 $0x1BFF;
	s21 =	sshll.u32 s6, $0x1;
	s3 =	sadd.s32 s4, s19  }
0x9c: {  	s7 =	simm.s32 $0x0;
	s20 =	sshll.u32 s5, $0x1;
	s5 =	sadd.s32 s21, s3  }
0x9d: {  	[timem:s7], [sflag:s22] =	dma.local [hbm:s5], s20  }
0x9e: {  	_ =	swait.ge [sflag:s22], s20  }
0x9f: {  	s4 =	ssub.s32 $0x0, s20;
	[sflag:s22] =	ssyncset.done $0x0  }
0xa0: {  	[sflag:s22] =	ssyncadd.s32 s4;
	_ =	sdelay $0x1  }
0xa1: {  	s23 =	simm.s32 $0x1B8B  }
0xa2: {  	_ =	swait.ge [sflag:s23], $0x1  }
0xa3: {  	[sflag:s23] =	ssyncset.done $0x0  }
0xa4: {  	s25 =	simm.s32 $0x1B8E;
	s24 =	sld [smem:$0x3FFE];
	[sflag:s23] =	ssyncadd.s32 $0xFFFFFFFF  }
0xa5: {  	s26 =	simm.s32 $execute0_lowered;
	[smem:$0x3FD2] =	sst s25  }
0xa6: {  	s5 =	sshll.u32 s26, $0x1;
	_ =	strace $0x80000049;
	[dreg:$0x1] =	wrdreg $0xFFFFFFFF  }
0xa7: {  	s28 =	simm.s32 $_size_execute0_lowered;
	s3 =	sadd.s32 s3, s5;
	[dreg:$0x0] =	wrdreg $0x0  }
0xa8: {  	s5 =	sshll.u32 s28, $0x1;
	[dreg:$0x2] =	wrdreg s3  }
0xa9: {  	[dreg:$0x3] =	wrdreg s5  }
0xaa: {  	[dreg:$0x4] =	wrdreg $0xC0  }
0xab: {  	_ =	task [dreg:s7], $0x5FFFF  }
0xac: {  	[dreg:$0x1] =	wrdreg $0xFFFFFFFF  }
0xad: {  	[dreg:$0x0] =	wrdreg $0x60  }
0xae: {  	[dreg:$0x2] =	wrdreg s24  }
0xaf: {  	[dreg:$0x3] =	wrdreg s2  }
0xb0: {  	[dreg:$0x4] =	wrdreg $0x9  }
0xb1: {  	_ =	task.clear_ibuf [dreg:s7], $0x5FFFF;
	_ =	strace $0x90000049  }
0xb2: {  	s29 =	simm.s32 $0x9;
	_ =	strace $0x8000004B  }
0xb3: {  	_ =	swait.ge [sflag:s29], $0x1  }
0xb4: {  	[sflag:s29] =	ssyncadd.s32 $0xFFFFFFFF  }
0xb5: {  	_ =	strace $0x9000004B  }
0xb6: {  	_ =	sfence  }
0xb7: {  	s30 =	sld [smem:$0x0];
	_ =	sdelay $0x2  }
0xb8: {  	s31 =	sshll.u32 s1, $0xD;
	s1 =	sshrl.u32 s1, $0x2  }
0xb9: {  	s3 =	sand.u32 $0x4000, s31;
	s1 =	sadd.s32 s1, s30  }
0xba: {  	s0 =	sor.u32 s3, s0;
	s1 =	sshll.u32 s1, $0x11  }
0xbb: {  	s0 =	sor.u32 s1, s0  }
0xbc: {  	s0 =	sadd.s32 $0x8F2B, s0  }
0xbd: {  	[sflag:s0] =	ssyncadd.remote.s32 $0x1  }
0xbe: {  	_ =	sfence.sel $0xFFFF  }
0xbf: {  	[dreg:$0x0] =	wrdreg $0xFFFFFFFF;
	(pc) =	sbr.abs _section_cstart, $3  }
0xc0: {  	[dreg:$0x1] =	wrdreg $0xFFFFFFFF  }
0xc1: {  	_ =	task.clear_ibuf [dreg:s7], $0x2FFFF;
	_ =	strace $0x9FFFFFFF  }
0xc2: {  	(tm) =	ssettm $0x7FFFFFFF  }
0xc3: {  	_ =	shalt  }
tec
execute0_lowered:
.L_overlay_start_1:
0x0: {  	(tag) =	ssettag $0x1  }
0x1: {  	s2 =	srdreg.scid;
	s1 =	rddreg [dreg:$0x0]  }
0x2: {  	s3 =	rddreg [dreg:$0x1];
	s4 =	sand.u32 $0x1, s2;
	s2 =	simm.s32 $0x0  }
0x3: {  	s0 =	stileid.u32;
	s25 =	simm.s32 $0x880;
	[smem:$0x7FF] =	sst s2  }
0x4: {  	s26 =	simm.s32 $0x1080;
	_ =	strace $0x8000004A;
	[dreg:$0x5] =	wrdreg s25  }
0x5: {  	s5 =	sshll.u32 s0, $0x5;
	s0 =	simm.s32 $0x1880;
	[dreg:$0x6] =	wrdreg s26  }
0x6: {  	s7 =	simm.s32 $0x3080;
	[dreg:$0x7] =	wrdreg s0  }
0x7: {  	s8 =	simm.s32 $0x3880;
	[dreg:$0xa] =	wrdreg s7  }
0x8: {  	s9 =	simm.s32 $0x4080;
	[dreg:$0xb] =	wrdreg s8  }
0x9: {  	s10 =	simm.s32 $0x4880;
	[dreg:$0xc] =	wrdreg s9  }
0xa: {  	s11 =	simm.s32 $0x5080;
	[dreg:$0xd] =	wrdreg s10  }
0xb: {  	s12 =	simm.s32 $0x5880;
	[dreg:$0xe] =	wrdreg s11  }
0xc: {  	s13 =	simm.s32 $0x6080;
	[dreg:$0xf] =	wrdreg s12  }
0xd: {  	s14 =	simm.s32 $0x6880;
	[dreg:$0x10] =	wrdreg s13  }
0xe: {  	s15 =	simm.s32 $0x7080;
	[dreg:$0x11] =	wrdreg s14  }
0xf: {  	s16 =	simm.s32 $0x7880;
	s17 =	simm.s32 $0x8080;
	[dreg:$0x12] =	wrdreg s15  }
0x10: {  	s18 =	simm.s32 $0x8880;
	s19 =	simm.s32 $0x9080;
	[dreg:$0x13] =	wrdreg s16  }
0x11: {  	s21 =	simm.s32 $0x9880;
	s22 =	simm.s32 $0xA080;
	[dreg:$0x14] =	wrdreg s17  }
0x12: {  	s23 =	simm.s32 $0xB080;
	s24 =	simm.s32 $0xB880;
	[dreg:$0x15] =	wrdreg s18  }
0x13: {  	s28 =	simm.s32 $0x16080;
	s29 =	simm.s32 $0x16880;
	[dreg:$0x16] =	wrdreg s19  }
0x14: {  	s30 =	simm.s32 $0x17080;
	s31 =	simm.s32 $0x17880;
	[dreg:$0x17] =	wrdreg s21  }
0x15: {  	s6 =	sshll.u32 s4, $0x4;
	s4 =	ssub.s32 $0x2, s4;
	[dreg:$0x18] =	wrdreg s22  }
0x16: {  	s5 =	sor.u32 s6, s5;
	s20 =	sshrl.u32 s4, $0x1;
	[dreg:$0x1a] =	wrdreg s23  }
0x17: {  	s7 =	simm.s32 $0xA880;
	[dreg:$0x1b] =	wrdreg s24;
	s25 =	simm.s32 $0xC080  }
0x18: {  	s8 =	simm.s32 $0x80;
	s26 =	simm.s32 $0xC880;
	s10 =	simm.s32 $0xD880  }
0x19: {  	s11 =	simm.s32 $0xE080;
	s12 =	simm.s32 $0xE880;
	s13 =	simm.s32 $0xF080  }
0x1a: {  	s14 =	simm.s32 $0xF880;
	s15 =	simm.s32 $0x10080;
	s16 =	simm.s32 $0x10880  }
0x1b: {  	s17 =	simm.s32 $0x11080;
	s18 =	simm.s32 $0x11880;
	s19 =	simm.s32 $0x12080  }
0x1c: {  	s21 =	simm.s32 $0x13080;
	s22 =	simm.s32 $0x13880;
	[dreg:$0x19] =	wrdreg s7  }
0x1d: {  	s6 =	sadd.s32 s5, s1;
	s5 =	smul.u32 $0x300, s5;
	[dreg:$0x1c] =	wrdreg s25  }
0x1e: {  	s23 =	simm.s32 $0x14080;
	[dreg:$0x1d] =	wrdreg s26;
	s6 =	sadd.s32 $0x2200, s6  }
0x1f: {  	s24 =	simm.s32 $0x14880;
	[dreg:$0x3] =	wrdreg s6;
	s3 =	sadd.s32 s3, s5  }
0x20: {  	s7 =	simm.s32 $0x2;
	s5 =	simm.s32 $0x2080;
	[dreg:$0x4] =	wrdreg s3  }
0x21: {  	s25 =	simm.s32 $0x15080;
	s6 =	simm.s32 $0x2880;
	[dreg:$0x8] =	wrdreg s5  }
0x22: {  	v2 =	vlaneseq.u32;
	s26 =	simm.s32 $0x15880;
	[dreg:$0x9] =	wrdreg s6;
	s3 =	sadd.s32 $0x92400, s1  }
0x23: {  	vm0 =	vmmov $0xffff;
	v1 =	vshrl.u32 v2, $0x3;
	s6 =	ssub.s32 s4, s20;
	s4 =	sadd.s32 $0x92500, s1;
	s5 =	sadd.s32 $0x92600, s1  }
0x24: {  	v0 =	vand.u32 $0x7, v2;
	v2 =	vor.u32 $0x8, v2;
	v1 =	vmul.u32 $0x8, v1;
	s20 =	simm.s32 $0x12880;
	s1 =	simm.s32 $0x1;
	s6 =	smax.u32 s6, $0x1  }
.LBB2_1:
0x25: {  	s0 =	rddreg [dreg:$0x3]  }
0x26: {  	[tilespmem:s2], [sflag:$0x2] =	stream.linear.gather [hbm4b:s0+s2], $0x80, $0x38;
	[tilespmem:$0x18080] =	vst v63  }
0x27: {  	_ =	swait.ge [sflag:s7], $0x80  }
0x28: {  	[sflag:s7] =	ssyncset.done $0x0  }
0x29: {  	[sflag:s7] =	ssyncadd.s32 $0xFFFFFF80  }
0x2a: {  	v3 =	vld [tilespmem:$0x0];
	_ =	sdelay $0x4  }
0x2b: {  	v4 =	vshrl.u32 v3, $0x3  }
0x2c: {  	v4 =	vmul.u32 $0x30, v4  }
0x2d: {  	v3 =	vand.u32 $0x7, v3  }
0x2e: {  	v3 =	vor.u32 v3, v4  }
0x2f: {  	v4 =	vperm.xlane v3, v0;
	_ =	sdelay $0x1  }
0x30: {  	v4 =	vadd.s32 v1, v4;
	_ =	sdelay $0x3  }
0x31: {  	v3 =	vperm.xlane v3, v2  }
0x32: {  	[tilespmem:s8], [sflag:$0x1] =	stream.indirect_vreg.gather [hbm4b:s3+s2], $0x80, v4, vm0, $0xb8;
	[tilespmem:$0x18080] =	vst v63  }
0x33: {  	s0 =	rddreg [dreg:$0x5];
	v3 =	vadd.s32 v1, v3  }
0x34: {  	[tilespmem:s0], [sflag:$0x1] =	stream.indirect_vreg.gather [hbm4b:s4+s2], $0x80, v4, vm0, $0xb8;
	[tilespmem:$0x18080] =	vst v63  }
0x35: {  	s9 =	rddreg [dreg:$0x6]  }
0x36: {  	[tilespmem:s9], [sflag:$0x1] =	stream.indirect_vreg.gather [hbm4b:s5+s2], $0x80, v4, vm0, $0xb8;
	[tilespmem:$0x18080] =	vst v63  }
0x37: {  	s0 =	rddreg [dreg:$0x7]  }
0x38: {  	[tilespmem:s0], [sflag:$0x1] =	stream.indirect_vreg.gather [hbm4b:s3+s2], $0x80, v3, vm0, $0xb8;
	[tilespmem:$0x18080] =	vst v63  }
0x39: {  	s9 =	rddreg [dreg:$0x8]  }
0x3a: {  	[tilespmem:s9], [sflag:$0x1] =	stream.indirect_vreg.gather [hbm4b:s4+s2], $0x80, v3, vm0, $0xb8;
	[tilespmem:$0x18080] =	vst v63  }
0x3b: {  	s0 =	rddreg [dreg:$0x9]  }
0x3c: {  	[tilespmem:s0], [sflag:$0x1] =	stream.indirect_vreg.gather [hbm4b:s5+s2], $0x80, v3, vm0, $0xb8;
	[tilespmem:$0x18080] =	vst v63  }
0x3d: {  	v3 =	vld [tilespmem:$0x10];
	_ =	sdelay $0x4  }
0x3e: {  	v57 =	vshrl.u32 v3, $0x3  }
0x3f: {  	v4 =	vmul.u32 $0x30, v57  }
0x40: {  	v3 =	vand.u32 $0x7, v3  }
0x41: {  	v3 =	vor.u32 v3, v4  }
0x42: {  	v4 =	vperm.xlane v3, v0;
	_ =	sdelay $0x1  }
0x43: {  	v4 =	vadd.s32 v1, v4;
	_ =	sdelay $0x3  }
0x44: {  	s0 =	rddreg [dreg:$0xa];
	v3 =	vperm.xlane v3, v2  }
0x45: {  	[tilespmem:s0], [sflag:$0x1] =	stream.indirect_vreg.gather [hbm4b:s3+s2], $0x80, v4, vm0, $0xb8;
	[tilespmem:$0x18080] =	vst v63  }
0x46: {  	s9 =	rddreg [dreg:$0xb];
	v3 =	vadd.s32 v1, v3  }
0x47: {  	[tilespmem:s9], [sflag:$0x1] =	stream.indirect_vreg.gather [hbm4b:s4+s2], $0x80, v4, vm0, $0xb8;
	[tilespmem:$0x18080] =	vst v63  }
0x48: {  	s0 =	rddreg [dreg:$0xc]  }
0x49: {  	[tilespmem:s0], [sflag:$0x1] =	stream.indirect_vreg.gather [hbm4b:s5+s2], $0x80, v4, vm0, $0xb8;
	[tilespmem:$0x18080] =	vst v63  }
0x4a: {  	s9 =	rddreg [dreg:$0xd]  }
0x4b: {  	[tilespmem:s9], [sflag:$0x1] =	stream.indirect_vreg.gather [hbm4b:s3+s2], $0x80, v3, vm0, $0xb8;
	[tilespmem:$0x18080] =	vst v63  }
0x4c: {  	s0 =	rddreg [dreg:$0xe]  }
0x4d: {  	[tilespmem:s0], [sflag:$0x1] =	stream.indirect_vreg.gather [hbm4b:s4+s2], $0x80, v3, vm0, $0xb8;
	[tilespmem:$0x18080] =	vst v63  }
0x4e: {  	s9 =	rddreg [dreg:$0xf]  }
0x4f: {  	[tilespmem:s9], [sflag:$0x1] =	stream.indirect_vreg.gather [hbm4b:s5+s2], $0x80, v3, vm0, $0xb8;
	[tilespmem:$0x18080] =	vst v63  }
0x50: {  	v3 =	vld [tilespmem:$0x20];
	_ =	sdelay $0x4  }
0x51: {  	v58 =	vshrl.u32 v3, $0x3  }
0x52: {  	v4 =	vmul.u32 $0x30, v58  }
0x53: {  	v3 =	vand.u32 $0x7, v3  }
0x54: {  	v3 =	vor.u32 v3, v4  }
0x55: {  	v4 =	vperm.xlane v3, v0;
	_ =	sdelay $0x1  }
0x56: {  	v4 =	vadd.s32 v1, v4;
	_ =	sdelay $0x3  }
0x57: {  	s0 =	rddreg [dreg:$0x10];
	v3 =	vperm.xlane v3, v2  }
0x58: {  	[tilespmem:s0], [sflag:$0x1] =	stream.indirect_vreg.gather [hbm4b:s3+s2], $0x80, v4, vm0, $0xb8;
	[tilespmem:$0x18080] =	vst v63  }
0x59: {  	s9 =	rddreg [dreg:$0x11];
	v3 =	vadd.s32 v1, v3  }
0x5a: {  	[tilespmem:s9], [sflag:$0x1] =	stream.indirect_vreg.gather [hbm4b:s4+s2], $0x80, v4, vm0, $0xb8;
	[tilespmem:$0x18080] =	vst v63  }
0x5b: {  	s0 =	rddreg [dreg:$0x12]  }
0x5c: {  	[tilespmem:s0], [sflag:$0x1] =	stream.indirect_vreg.gather [hbm4b:s5+s2], $0x80, v4, vm0, $0xb8;
	[tilespmem:$0x18080] =	vst v63  }
0x5d: {  	s9 =	rddreg [dreg:$0x13]  }
0x5e: {  	[tilespmem:s9], [sflag:$0x1] =	stream.indirect_vreg.gather [hbm4b:s3+s2], $0x80, v3, vm0, $0xb8;
	[tilespmem:$0x18080] =	vst v63  }
0x5f: {  	s0 =	rddreg [dreg:$0x14]  }
0x60: {  	[tilespmem:s0], [sflag:$0x1] =	stream.indirect_vreg.gather [hbm4b:s4+s2], $0x80, v3, vm0, $0xb8;
	[tilespmem:$0x18080] =	vst v63  }
0x61: {  	s9 =	rddreg [dreg:$0x15]  }
0x62: {  	[tilespmem:s9], [sflag:$0x1] =	stream.indirect_vreg.gather [hbm4b:s5+s2], $0x80, v3, vm0, $0xb8;
	[tilespmem:$0x18080] =	vst v63  }
0x63: {  	v3 =	vld [tilespmem:$0x30];
	_ =	sdelay $0x4  }
0x64: {  	v59 =	vshrl.u32 v3, $0x3  }
0x65: {  	v4 =	vmul.u32 $0x30, v59  }
0x66: {  	v3 =	vand.u32 $0x7, v3  }
0x67: {  	v3 =	vor.u32 v3, v4  }
0x68: {  	v4 =	vperm.xlane v3, v0;
	_ =	sdelay $0x1  }
0x69: {  	v4 =	vadd.s32 v1, v4;
	_ =	sdelay $0x3  }
0x6a: {  	s0 =	rddreg [dreg:$0x16];
	v3 =	vperm.xlane v3, v2  }
0x6b: {  	[tilespmem:s0], [sflag:$0x1] =	stream.indirect_vreg.gather [hbm4b:s3+s2], $0x80, v4, vm0, $0xb8;
	[tilespmem:$0x18080] =	vst v63  }
0x6c: {  	s9 =	rddreg [dreg:$0x17];
	v3 =	vadd.s32 v1, v3  }
0x6d: {  	[tilespmem:s9], [sflag:$0x1] =	stream.indirect_vreg.gather [hbm4b:s4+s2], $0x80, v4, vm0, $0xb8;
	[tilespmem:$0x18080] =	vst v63  }
0x6e: {  	s0 =	rddreg [dreg:$0x18]  }
0x6f: {  	[tilespmem:s0], [sflag:$0x1] =	stream.indirect_vreg.gather [hbm4b:s5+s2], $0x80, v4, vm0, $0xb8;
	[tilespmem:$0x18080] =	vst v63  }
0x70: {  	s9 =	rddreg [dreg:$0x19]  }
0x71: {  	[tilespmem:s9], [sflag:$0x1] =	stream.indirect_vreg.gather [hbm4b:s3+s2], $0x80, v3, vm0, $0xb8;
	[tilespmem:$0x18080] =	vst v63  }
0x72: {  	s0 =	rddreg [dreg:$0x1a]  }
0x73: {  	[tilespmem:s0], [sflag:$0x1] =	stream.indirect_vreg.gather [hbm4b:s4+s2], $0x80, v3, vm0, $0xb8;
	[tilespmem:$0x18080] =	vst v63  }
0x74: {  	s9 =	rddreg [dreg:$0x1b]  }
0x75: {  	[tilespmem:s9], [sflag:$0x1] =	stream.indirect_vreg.gather [hbm4b:s5+s2], $0x80, v3, vm0, $0xb8;
	[tilespmem:$0x18080] =	vst v63  }
0x76: {  	v3 =	vld [tilespmem:$0x40];
	_ =	sdelay $0x4  }
0x77: {  	v60 =	vshrl.u32 v3, $0x3  }
0x78: {  	v4 =	vmul.u32 $0x30, v60  }
0x79: {  	v3 =	vand.u32 $0x7, v3  }
0x7a: {  	v3 =	vor.u32 v3, v4  }
0x7b: {  	v4 =	vperm.xlane v3, v0;
	_ =	sdelay $0x1  }
0x7c: {  	v4 =	vadd.s32 v1, v4;
	_ =	sdelay $0x3  }
0x7d: {  	s0 =	rddreg [dreg:$0x1c];
	v3 =	vperm.xlane v3, v2  }
0x7e: {  	[tilespmem:s0], [sflag:$0x1] =	stream.indirect_vreg.gather [hbm4b:s3+s2], $0x80, v4, vm0, $0xb8;
	[tilespmem:$0x18080] =	vst v63  }
0x7f: {  	s9 =	rddreg [dreg:$0x1d];
	v3 =	vadd.s32 v1, v3  }
0x80: {  	[tilespmem:s9], [sflag:$0x1] =	stream.indirect_vreg.gather [hbm4b:s4+s2], $0x80, v4, vm0, $0xb8;
	[tilespmem:$0x18080] =	vst v63  }
0x81: {  	s9 =	simm.s32 $0xD080  }
0x82: {  	[tilespmem:s9], [sflag:$0x1] =	stream.indirect_vreg.gather [hbm4b:s5+s2], $0x80, v4, vm0, $0xb8;
	[tilespmem:$0x18080] =	vst v63  }
0x83: {  	_ = 	snop  }
0x84: {  	[tilespmem:s10], [sflag:$0x1] =	stream.indirect_vreg.gather [hbm4b:s3+s2], $0x80, v3, vm0, $0xb8;
	[tilespmem:$0x18080] =	vst v63  }
0x85: {  	_ = 	snop  }
0x86: {  	[tilespmem:s11], [sflag:$0x1] =	stream.indirect_vreg.gather [hbm4b:s4+s2], $0x80, v3, vm0, $0xb8;
	[tilespmem:$0x18080] =	vst v63  }
0x87: {  	_ = 	snop  }
0x88: {  	[tilespmem:s12], [sflag:$0x1] =	stream.indirect_vreg.gather [hbm4b:s5+s2], $0x80, v3, vm0, $0xb8;
	[tilespmem:$0x18080] =	vst v63  }
0x89: {  	v3 =	vld [tilespmem:$0x50];
	_ =	sdelay $0x4  }
0x8a: {  	v61 =	vshrl.u32 v3, $0x3  }
0x8b: {  	v4 =	vmul.u32 $0x30, v61  }
0x8c: {  	v3 =	vand.u32 $0x7, v3  }
0x8d: {  	v3 =	vor.u32 v3, v4  }
0x8e: {  	v4 =	vperm.xlane v3, v0;
	_ =	sdelay $0x1  }
0x8f: {  	v4 =	vadd.s32 v1, v4;
	_ =	sdelay $0x3  }
0x90: {  	v3 =	vperm.xlane v3, v2  }
0x91: {  	[tilespmem:s13], [sflag:$0x1] =	stream.indirect_vreg.gather [hbm4b:s3+s2], $0x80, v4, vm0, $0xb8;
	[tilespmem:$0x18080] =	vst v63  }
0x92: {  	v3 =	vadd.s32 v1, v3  }
0x93: {  	[tilespmem:s14], [sflag:$0x1] =	stream.indirect_vreg.gather [hbm4b:s4+s2], $0x80, v4, vm0, $0xb8;
	[tilespmem:$0x18080] =	vst v63  }
0x94: {  	_ = 	snop  }
0x95: {  	[tilespmem:s15], [sflag:$0x1] =	stream.indirect_vreg.gather [hbm4b:s5+s2], $0x80, v4, vm0, $0xb8;
	[tilespmem:$0x18080] =	vst v63  }
0x96: {  	_ = 	snop  }
0x97: {  	[tilespmem:s16], [sflag:$0x1] =	stream.indirect_vreg.gather [hbm4b:s3+s2], $0x80, v3, vm0, $0xb8;
	[tilespmem:$0x18080] =	vst v63  }
0x98: {  	_ = 	snop  }
0x99: {  	[tilespmem:s17], [sflag:$0x1] =	stream.indirect_vreg.gather [hbm4b:s4+s2], $0x80, v3, vm0, $0xb8;
	[tilespmem:$0x18080] =	vst v63  }
0x9a: {  	_ = 	snop  }
0x9b: {  	[tilespmem:s18], [sflag:$0x1] =	stream.indirect_vreg.gather [hbm4b:s5+s2], $0x80, v3, vm0, $0xb8;
	[tilespmem:$0x18080] =	vst v63  }
0x9c: {  	v3 =	vld [tilespmem:$0x60];
	_ =	sdelay $0x4  }
0x9d: {  	v62 =	vshrl.u32 v3, $0x3  }
0x9e: {  	v4 =	vmul.u32 $0x30, v62  }
0x9f: {  	v3 =	vand.u32 $0x7, v3  }
0xa0: {  	v3 =	vor.u32 v3, v4  }
0xa1: {  	v4 =	vperm.xlane v3, v0;
	_ =	sdelay $0x1  }
0xa2: {  	v4 =	vadd.s32 v1, v4;
	_ =	sdelay $0x3  }
0xa3: {  	v3 =	vperm.xlane v3, v2  }
0xa4: {  	[tilespmem:s19], [sflag:$0x1] =	stream.indirect_vreg.gather [hbm4b:s3+s2], $0x80, v4, vm0, $0xb8;
	[tilespmem:$0x18080] =	vst v63  }
0xa5: {  	v3 =	vadd.s32 v1, v3  }
0xa6: {  	[tilespmem:s20], [sflag:$0x1] =	stream.indirect_vreg.gather [hbm4b:s4+s2], $0x80, v4, vm0, $0xb8;
	[tilespmem:$0x18080] =	vst v63  }
0xa7: {  	_ = 	snop  }
0xa8: {  	[tilespmem:s21], [sflag:$0x1] =	stream.indirect_vreg.gather [hbm4b:s5+s2], $0x80, v4, vm0, $0xb8;
	[tilespmem:$0x18080] =	vst v63  }
0xa9: {  	_ = 	snop  }
0xaa: {  	[tilespmem:s22], [sflag:$0x1] =	stream.indirect_vreg.gather [hbm4b:s3+s2], $0x80, v3, vm0, $0xb8;
	[tilespmem:$0x18080] =	vst v63  }
0xab: {  	_ = 	snop  }
0xac: {  	[tilespmem:s23], [sflag:$0x1] =	stream.indirect_vreg.gather [hbm4b:s4+s2], $0x80, v3, vm0, $0xb8;
	[tilespmem:$0x18080] =	vst v63  }
0xad: {  	_ = 	snop  }
0xae: {  	[tilespmem:s24], [sflag:$0x1] =	stream.indirect_vreg.gather [hbm4b:s5+s2], $0x80, v3, vm0, $0xb8;
	[tilespmem:$0x18080] =	vst v63  }
0xaf: {  	v3 =	vld [tilespmem:$0x70];
	_ =	sdelay $0x4  }
0xb0: {  	v63 =	vshrl.u32 v3, $0x3  }
0xb1: {  	v4 =	vmul.u32 $0x30, v63  }
0xb2: {  	v3 =	vand.u32 $0x7, v3  }
0xb3: {  	v3 =	vor.u32 v3, v4  }
0xb4: {  	v4 =	vperm.xlane v3, v0;
	_ =	sdelay $0x1  }
0xb5: {  	v4 =	vadd.s32 v1, v4;
	_ =	sdelay $0x3  }
0xb6: {  	v3 =	vperm.xlane v3, v2  }
0xb7: {  	[tilespmem:s25], [sflag:$0x1] =	stream.indirect_vreg.gather [hbm4b:s3+s2], $0x80, v4, vm0, $0xb8;
	[tilespmem:$0x18080] =	vst v63  }
0xb8: {  	v3 =	vadd.s32 v1, v3  }
0xb9: {  	[tilespmem:s26], [sflag:$0x1] =	stream.indirect_vreg.gather [hbm4b:s4+s2], $0x80, v4, vm0, $0xb8;
	[tilespmem:$0x18080] =	vst v63  }
0xba: {  	_ = 	snop  }
0xbb: {  	[tilespmem:s28], [sflag:$0x1] =	stream.indirect_vreg.gather [hbm4b:s5+s2], $0x80, v4, vm0, $0xb8;
	[tilespmem:$0x18080] =	vst v63  }
0xbc: {  	_ = 	snop  }
0xbd: {  	[tilespmem:s29], [sflag:$0x1] =	stream.indirect_vreg.gather [hbm4b:s3+s2], $0x80, v3, vm0, $0xb8;
	[tilespmem:$0x18080] =	vst v63  }
0xbe: {  	_ = 	snop  }
0xbf: {  	[tilespmem:s30], [sflag:$0x1] =	stream.indirect_vreg.gather [hbm4b:s4+s2], $0x80, v3, vm0, $0xb8;
	[tilespmem:$0x18080] =	vst v63  }
0xc0: {  	_ = 	snop  }
0xc1: {  	[tilespmem:s31], [sflag:$0x1] =	stream.indirect_vreg.gather [hbm4b:s5+s2], $0x80, v3, vm0, $0xb8;
	[tilespmem:$0x18080] =	vst v63  }
0xc2: {  	_ =	swait.ge [sflag:s1], $0x18000  }
0xc3: {  	p0 =	sne.s32 s6, $0x1;
	[sflag:s1] =	ssyncset.done $0x0  }
.Ltmp0:
0xc4: {  	s9 =	rddreg [dreg:$0x4];
	[sflag:s1] =	ssyncadd.s32 $0xFFFE8000;
	(pc) =	sbr.rel @p0 .LBB2_1-.Ltmp0, $4  }
0xc5: {  	[hbm4b:s9+s2] =	stream.linear.scatter [tilespmem:s8], [sflag:$0x2], $0x18000, $0x38;
	[tilespmem:$0x18080] =	vst v63  }
0xc6: {  	_ =	swait.ge [sflag:s7], $0x18000  }
0xc7: {  	[sflag:s7] =	ssyncset.done $0x0  }
0xc8: {  	s6 =	sadd.s32 $0xFFFFFFFF, s6;
	[sflag:s7] =	ssyncadd.s32 $0xFFFE8000  }
0xc9: {  	_ =	sfence.sel $0x180000  }
0xca: {  	[bflag:$0x0] =	sbarrier.arrive $0xFFFF  }
0xcb: {  	_ =	strace $0x9000004A  }
0xcc: {  	s0 =	stileid.u32;
	[bflag:$0x2] =	sbarrier.arrive $0xFFFF  }
0xcd: {  	p0 =	sne.s32 s0, $0x0;
	s0 =	rddreg [dreg:$0x2]  }
0xce: {  	s0 =	sadd.s32 @!p0 $0x100000, s0  }
0xcf: {  	[sflag:s0] =	ssyncadd.tile.s32 @!p0 $0x1;
	_ =	shalt  }
.Lfunc_end2:
_tile_overlayer_lowered:
.L_overlay_start_2:
0xd0: {  	(tag) =	ssettag $0x2  }
0xd1: {  	s0 =	rddreg [dreg:$0x0];
	s2 =	stileid.u32  }
0xd2: {  	s1 =	rddreg [dreg:$0x1];
	p0 =	sne.s32 s2, $0x0  }
0xd3: {  	s3 =	rddreg [dreg:$0x2];
	[bflag:$0x3] =	sbarrier.arrive $0xFFFF;
	s2 =	simm.s32 @!p0 $0x1C02  }
0xd4: {  	[timem:s3], [sflag:s2] =	dma.local @!p0 [hbm:s0], s1  }
0xd5: {  	s0 =	simm.s32 @!p0 $0x2  }
0xd6: {  	_ =	swait.ge @!p0 [sflag:s0], s1  }
0xd7: {  	s1 =	ssub.s32 @!p0 $0x0, s1;
	[sflag:s0] =	ssyncset.done @!p0 $0x0  }
0xd8: {  	[sflag:s0] =	ssyncadd.s32 @!p0 s1  }
0xd9: {  	[bflag:$0x3] =	sbarrier.arrive $0xFFFF  }
0xda: {  	_ =	shalt  }

</sc_bundles>
